<compile_context>
chip_gen: v7x
topology: tpu7x:2x2x1
jax: 0.10.2.dev20260603
libtpu: 0.0.44.dev20260713+nightly
codegen_flags: <defaults>
</compile_context>

<pallas_src>
import functools

import jax
import jax.numpy as jnp
from jax import lax
from jax.experimental import pallas as pl
from jax.experimental.pallas import tpu as pltpu
from jax.experimental.pallas import tpu_sc as plsc

H = 256
HALF = 128
NC = 2
NS = 16
CH = 128
L = 3
N_GRAPHS = 256


def _round_up(n, m):
    return ((n + m - 1) // m) * m


def _split2(t):
    n = t.shape[0]
    return t.reshape(n, NC, HALF).transpose(1, 0, 2).reshape(NC * n, HALF)


def _pad_idx(gidx, sidx, n_out, eidx=None, unit=NS * CH * 2):
    e0 = gidx.shape[0]
    ep = _round_up(e0, unit)
    pad = ep - e0
    gidx = jnp.concatenate([gidx.astype(jnp.int32), jnp.zeros((pad,), jnp.int32)])
    sidx = jnp.concatenate([sidx.astype(jnp.int32), jnp.full((pad,), n_out, jnp.int32)])
    if eidx is None:
        return gidx, sidx
    eidx = jnp.concatenate([eidx.astype(jnp.int32), jnp.zeros((pad,), jnp.int32)])
    return gidx, sidx, eidx


def _splitn(t, nsplit):
    n = t.shape[0]
    w = H // nsplit
    return t.reshape(n, nsplit, w).transpose(1, 0, 2).reshape(nsplit * n, w)


@functools.partial(jax.jit, static_argnames=("n_in", "n_out", "n_e", "relu",
                                             "nsplit", "ch"))
def _sc_seg_sum(tab, gidx, sidx, zeros, etab=None, eidx=None, *, n_in, n_out,
                n_e=0, relu=False, nsplit=2, ch=CH):
    e_tot = gidx.shape[0] // NC
    per_sub = e_tot // NS
    n_chunks = per_sub // ch
    width = H // nsplit
    n_acc = zeros.shape[0]
    rps = n_acc // NS

    per_buf = ch * width * (2 if relu else 1) + ch * (3 if relu else 2)
    nbuf = (4 if (2_050_000 - n_acc * width) >= 4 * NS * per_buf
            and n_chunks % 4 == 0 else 2)
    groups = n_chunks // nbuf

    scratch = []
    for _ in range(nbuf):
        scratch += [pltpu.VMEM((ch,), jnp.int32),
                    pltpu.VMEM((ch,), jnp.int32),
                    pltpu.VMEM((ch, width), jnp.float32),
                    pltpu.SemaphoreType.DMA,
                    pltpu.SemaphoreType.DMA,
                    pltpu.SemaphoreType.DMA,
                    pltpu.SemaphoreType.DMA]
        if relu:
            scratch += [pltpu.VMEM((ch,), jnp.int32),
                        pltpu.VMEM((ch, width), jnp.float32),
                        pltpu.SemaphoreType.DMA,
                        pltpu.SemaphoreType.DMA]
    scratch.append(pltpu.VMEM_SHARED((n_acc, width), jnp.float32))

    mesh = plsc.VectorSubcoreMesh(core_axis_name="c", subcore_axis_name="s")

    @functools.partial(
        pl.kernel, mesh=mesh,
        out_type=jax.ShapeDtypeStruct((NC, n_acc, width), jnp.float32),
        scratch_types=scratch)
    def k(*refs):
        if relu:
            (tab_h, gidx_h, sidx_h, zeros_h, etab_h, eidx_h, out_h) = refs[:7]
            sc = refs[7:]
            per = 11
        else:
            (tab_h, gidx_h, sidx_h, zeros_h, out_h) = refs[:5]
            sc = refs[5:]
            per = 7
        gv = [sc[i * per + 0] for i in range(nbuf)]
        sv = [sc[i * per + 1] for i in range(nbuf)]
        rows = [sc[i * per + 2] for i in range(nbuf)]
        sem_ig = [sc[i * per + 3] for i in range(nbuf)]
        sem_is = [sc[i * per + 4] for i in range(nbuf)]
        sem_g = [sc[i * per + 5] for i in range(nbuf)]
        sem_s = [sc[i * per + 6] for i in range(nbuf)]
        if relu:
            ev = [sc[i * per + 7] for i in range(nbuf)]
            erows = [sc[i * per + 8] for i in range(nbuf)]
            sem_ie = [sc[i * per + 9] for i in range(nbuf)]
            sem_ge = [sc[i * per + 10] for i in range(nbuf)]
        acc = sc[nbuf * per]
        c = lax.axis_index("c")
        s = lax.axis_index("s")
        base = s * per_sub
        cbase = c * e_tot

        def idx_issue(b, cn):
            off = base + cn * ch
            pltpu.async_copy(gidx_h.at[pl.ds(cbase + off, ch)], gv[b],
                             sem_ig[b])
            pltpu.async_copy(sidx_h.at[pl.ds(off, ch)], sv[b], sem_is[b])
            if relu:
                pltpu.async_copy(eidx_h.at[pl.ds(cbase + off, ch)], ev[b],
                                 sem_ie[b])

        def idx_wait(b):
            pltpu.make_async_copy(gidx_h.at[pl.ds(0, ch)], gv[b],
                                  sem_ig[b]).wait()
            pltpu.make_async_copy(sidx_h.at[pl.ds(0, ch)], sv[b],
                                  sem_is[b]).wait()
            if relu:
                pltpu.make_async_copy(eidx_h.at[pl.ds(0, ch)], ev[b],
                                      sem_ie[b]).wait()

        def gather_issue(b):
            pltpu.async_copy(tab_h.at[gv[b]], rows[b], sem_g[b])
            if relu:
                pltpu.async_copy(etab_h.at[ev[b]], erows[b], sem_ge[b])

        def gather_wait(b):
            pltpu.make_async_copy(tab_h.at[pl.ds(0, ch)], rows[b],
                                  sem_g[b]).wait()
            if relu:
                pltpu.make_async_copy(etab_h.at[pl.ds(0, ch)], erows[b],
                                      sem_ge[b]).wait()

        def compute(b):
            if not relu:
                return

            def rbody(r, cc):
                for u in range(4):
                    for kk in range(width // 16):
                        sl = pl.ds(kk * 16, 16)
                        rows[b][4 * r + u, sl] = jnp.maximum(
                            rows[b][4 * r + u, sl] + erows[b][4 * r + u, sl],
                            0.0)
                return cc
            lax.fori_loop(0, ch // 4, rbody, 0)

        def scatter_issue(b):
            pltpu.async_copy(rows[b], acc.at[sv[b]], sem_s[b], add=True)

        def scatter_wait(b):
            pltpu.make_async_copy(rows[b], acc.at[pl.ds(0, ch)],
                                  sem_s[b]).wait()

        pltpu.sync_copy(zeros_h.at[pl.ds(s * rps, rps)],
                        acc.at[pl.ds(s * rps, rps)])
        plsc.subcore_barrier()
        for b in range(nbuf):
            idx_issue(b, b)
            idx_wait(b)
            gather_issue(b)

        def body(g, carry):
            for b in range(nbuf):
                gather_wait(b)
                compute(b)
                scatter_issue(b)
            for b in range(nbuf):
                scatter_wait(b)
                idx_issue(b, nbuf * (g + 1) + b)
            for b in range(nbuf):
                idx_wait(b)
                gather_issue(b)
            return carry
        lax.fori_loop(0, groups - 1, body, 0)
        for b in range(nbuf):
            gather_wait(b)
            compute(b)
            scatter_issue(b)
        for b in range(nbuf):
            scatter_wait(b)
        plsc.subcore_barrier()
        pltpu.sync_copy(acc.at[pl.ds(s * rps, rps)],
                        out_h.at[c].at[pl.ds(s * rps, rps)])

    if relu:
        out = k(tab, gidx, sidx, zeros, etab, eidx)
    else:
        out = k(tab, gidx, sidx, zeros)
    return out.transpose(1, 0, 2).reshape(n_acc, H)


@functools.partial(jax.jit, static_argnames=("n_out",))
def _sc_counts(sidx, ones, zeros, *, n_out):
    e_tot = sidx.shape[0]
    per_w = e_tot // (NC * NS)
    n_chunks = per_w // CH
    nbuf = 2
    groups = n_chunks // nbuf
    n_acc = zeros.shape[0]
    rps = n_acc // NS

    scratch = [pltpu.VMEM((CH, HALF), jnp.float32)]
    for _ in range(nbuf):
        scratch += [pltpu.VMEM((CH,), jnp.int32),
                    pltpu.SemaphoreType.DMA,
                    pltpu.SemaphoreType.DMA]
    scratch.append(pltpu.VMEM_SHARED((n_acc, HALF), jnp.float32))

    mesh = plsc.VectorSubcoreMesh(core_axis_name="c", subcore_axis_name="s")

    @functools.partial(
        pl.kernel, mesh=mesh,
        out_type=jax.ShapeDtypeStruct((NC, n_acc, HALF), jnp.float32),
        scratch_types=scratch)
    def k(sidx_h, ones_h, zeros_h, out_h, *sc):
        rows = sc[0]
        sv = [sc[1 + 3 * i] for i in range(nbuf)]
        sem_is = [sc[2 + 3 * i] for i in range(nbuf)]
        sem_s = [sc[3 + 3 * i] for i in range(nbuf)]
        acc = sc[1 + 3 * nbuf]
        c = lax.axis_index("c")
        s = lax.axis_index("s")
        base = (c * NS + s) * per_w
        pltpu.sync_copy(ones_h, rows)
        pltpu.sync_copy(zeros_h.at[pl.ds(s * rps, rps)],
                        acc.at[pl.ds(s * rps, rps)])
        plsc.subcore_barrier()

        def idx_issue(b, cn):
            pltpu.async_copy(sidx_h.at[pl.ds(base + cn * CH, CH)], sv[b],
                             sem_is[b])

        def idx_wait(b):
            pltpu.make_async_copy(sidx_h.at[pl.ds(0, CH)], sv[b],
                                  sem_is[b]).wait()

        def scatter_issue(b):
            pltpu.async_copy(rows, acc.at[sv[b]], sem_s[b], add=True)

        def scatter_wait(b):
            pltpu.make_async_copy(rows, acc.at[pl.ds(0, CH)], sem_s[b]).wait()

        for b in range(nbuf):
            idx_issue(b, b)

        def body(g, carry):
            for b in range(nbuf):
                idx_wait(b)
                scatter_issue(b)
            for b in range(nbuf):
                scatter_wait(b)
                idx_issue(b, nbuf * (g + 1) + b)
            return carry
        lax.fori_loop(0, groups - 1, body, 0)
        for b in range(nbuf):
            idx_wait(b)
            scatter_issue(b)
        for b in range(nbuf):
            scatter_wait(b)
        plsc.subcore_barrier()
        pltpu.sync_copy(acc.at[pl.ds(s * rps, rps)],
                        out_h.at[c].at[pl.ds(s * rps, rps)])

    return k(sidx, ones, zeros)


def _seg_sum(tab256, gidx, sidx, n_in, n_out, etab256=None, eidx=None, n_e=0,
             nsplit=2, ch=CH):
    n_acc = _round_up(n_out + 1, NS * 8)
    zeros = jnp.zeros((n_acc, H // nsplit), jnp.float32)
    g2 = jnp.concatenate([gidx, gidx + n_in])
    if etab256 is None:
        out = _sc_seg_sum(_splitn(tab256, nsplit), g2, sidx, zeros,
                          n_in=n_in, n_out=n_out, nsplit=nsplit, ch=ch)
    else:
        e2 = jnp.concatenate([eidx, eidx + n_e])
        out = _sc_seg_sum(_splitn(tab256, nsplit), g2, sidx, zeros,
                          _splitn(etab256, nsplit), e2,
                          n_in=n_in, n_out=n_out, n_e=n_e, relu=True,
                          nsplit=nsplit, ch=ch)
    return out[:n_out]


def _bond_tables(bond_emb):
    def body(be_ref, out_ref):
        for l in range(L):
            e0 = be_ref[l, 0]
            e1 = be_ref[l, 1]
            e2 = be_ref[l, 2]
            t = (e0[:, None, None, :] + e1[None, :, None, :]
                 + e2[None, None, :, :])
            out_ref[l] = t.reshape(216, H)
    return pl.pallas_call(
        body, out_shape=jax.ShapeDtypeStruct((L, 216, H), jnp.float32))(bond_emb)


def _clique_enc(attr, emb):
    def body(a_ref, e_ref, o_ref):
        a = a_ref[...]
        mx = jnp.max(a, axis=1, keepdims=True)
        ii = lax.broadcasted_iota(jnp.int32, a.shape, 1)
        pri = jnp.where(a == mx, ii, jnp.int32(10 ** 6))
        amin = jnp.min(pri, axis=1, keepdims=True)
        onehot = (pri == amin).astype(jnp.float32)
        o_ref[...] = jnp.dot(onehot, e_ref[...],
                             preferred_element_type=jnp.float32)
    r = attr.shape[0]
    return pl.pallas_call(
        body, out_shape=jax.ShapeDtypeStruct((r, H), jnp.float32))(attr, emb)


def _mlp(xin, agg, eps, w1, b1, g1, be1, w2, b2, bg, bb):
    def body(e_ref, x_ref, a_ref, w1_ref, b1_ref, g1_ref, be1_ref, w2_ref,
             b2_ref, bg_ref, bb_ref, o_ref):
        z = (1.0 + e_ref[0, 0]) * x_ref[...] + a_ref[...]
        z1 = jnp.dot(z, w1_ref[...], preferred_element_type=jnp.float32)
        z1 = z1 + b1_ref[...]
        m = jnp.mean(z1, axis=0, keepdims=True)
        v = jnp.mean(z1 * z1, axis=0, keepdims=True) - m * m
        z1 = g1_ref[...] * (z1 - m) * lax.rsqrt(v + 1e-5) + be1_ref[...]
        z1 = jnp.maximum(z1, 0.0)
        z2 = jnp.dot(z1, w2_ref[...], preferred_element_type=jnp.float32)
        z2 = z2 + b2_ref[...]
        m2 = jnp.mean(z2, axis=0, keepdims=True)
        v2 = jnp.mean(z2 * z2, axis=0, keepdims=True) - m2 * m2
        o_ref[...] = jnp.maximum(
            bg_ref[...] * (z2 - m2) * lax.rsqrt(v2 + 1e-5) + bb_ref[...], 0.0)
    r = xin.shape[0]
    return pl.pallas_call(
        body, out_shape=jax.ShapeDtypeStruct((r, H), jnp.float32))(
            eps.reshape(1, 1), xin, agg, w1, b1.reshape(1, -1),
            g1.reshape(1, -1), be1.reshape(1, -1), w2, b2.reshape(1, -1),
            bg.reshape(1, -1), bb.reshape(1, -1))


def _mean_lin_add(base, ssum, cnt2, w, b):
    def body(base_ref, s_ref, ca_ref, cb_ref, w_ref, b_ref, o_ref):
        c = jnp.maximum(ca_ref[...] + cb_ref[...], 1.0)
        m = s_ref[...] / jnp.concatenate([c, c], axis=1)
        o_ref[...] = base_ref[...] + jnp.maximum(
            jnp.dot(m, w_ref[...], preferred_element_type=jnp.float32)
            + b_ref[...], 0.0)
    r = base.shape[0]
    return pl.pallas_call(
        body, out_shape=jax.ShapeDtypeStruct((r, H), jnp.float32))(
            base, ssum, cnt2[0], cnt2[1], w, b.reshape(1, -1))


def _final(hs, hcnt2, cs, ccnt2, aw, ab, cw, cb, lw, lb):
    def body(hs_ref, hca_ref, hcb_ref, cs_ref, cca_ref, ccb_ref, aw_ref,
             ab_ref, cw_ref, cb_ref, lw_ref, lb_ref, o_ref):
        hc = jnp.maximum(hca_ref[...] + hcb_ref[...], 1.0)
        cc = jnp.maximum(cca_ref[...] + ccb_ref[...], 1.0)
        xg = jnp.dot(hs_ref[...] / jnp.concatenate([hc, hc], axis=1),
                     aw_ref[...], preferred_element_type=jnp.float32)
        xg = xg + ab_ref[...]
        xc = jnp.dot(cs_ref[...] / jnp.concatenate([cc, cc], axis=1),
                     cw_ref[...], preferred_element_type=jnp.float32)
        xc = xc + cb_ref[...]
        out = jnp.maximum(xg + xc, 0.0)
        o_ref[...] = jnp.dot(out, lw_ref[...],
                             preferred_element_type=jnp.float32) + lb_ref[...]
    g, out_dim = N_GRAPHS, lw.shape[1]
    return pl.pallas_call(
        body, out_shape=jax.ShapeDtypeStruct((g, out_dim), jnp.float32))(
            hs, hcnt2[0], hcnt2[1], cs, ccnt2[0], ccnt2[1], aw,
            ab.reshape(1, -1), cw, cb.reshape(1, -1), lw, lb.reshape(1, -1))


def kernel(params, clique_attr, x, edge_index, edge_attr, a2c_atom,
           a2c_clique, tree_edge_index, batch, tree_batch):
    p = params
    n = x.shape[0]
    ncl = clique_attr.shape[0]
    g = N_GRAPHS

    enc_g = (x.astype(jnp.int32)
             + 100 * jnp.arange(9, dtype=jnp.int32)[None, :]).reshape(-1)
    enc_s = jnp.repeat(jnp.arange(n, dtype=jnp.int32), 9)
    enc_gp, enc_sp = _pad_idx(enc_g, enc_s, n)

    src, dst = edge_index[0], edge_index[1]
    et = (edge_attr[:, 0] * 36 + edge_attr[:, 1] * 6
          + edge_attr[:, 2]).astype(jnp.int32)
    e_gp, e_sp, e_ep = _pad_idx(src, dst, n, et, unit=NS * 64 * 2)

    a2c_gp, a2c_sp = _pad_idx(a2c_atom, a2c_clique, ncl)
    c2a_gp, c2a_sp = _pad_idx(a2c_clique, a2c_atom, n)
    ts, td = tree_edge_index[0], tree_edge_index[1]
    t_gp, t_sp = _pad_idx(ts, td, ncl)
    ro_g = jnp.concatenate([jnp.arange(n, dtype=jnp.int32),
                            n + jnp.arange(ncl, dtype=jnp.int32)])
    ro_s = jnp.concatenate([batch.astype(jnp.int32),
                            g + tree_batch.astype(jnp.int32)])
    ro_gp, ro_sp = _pad_idx(ro_g, ro_s, 2 * g)

    off_at = ncl
    off_b = ncl + n
    off_tb = ncl + n + g
    n_out_c = ncl + n + 2 * g
    cnt_ids = jnp.concatenate([
        a2c_clique.astype(jnp.int32),
        off_at + a2c_atom.astype(jnp.int32),
        off_b + batch.astype(jnp.int32),
        off_tb + tree_batch.astype(jnp.int32)])
    ep = _round_up(cnt_ids.shape[0], NS * CH * 4)
    cnt_ids = jnp.concatenate([
        cnt_ids, jnp.full((ep - cnt_ids.shape[0],), n_out_c, jnp.int32)])
    n_acc_c = _round_up(n_out_c + 1, NS * 8)
    cnts = _sc_counts(cnt_ids, jnp.ones((CH, HALF), jnp.float32),
                      jnp.zeros((n_acc_c, HALF), jnp.float32), n_out=n_out_c)
    cnt_cl = (cnts[0, 0:ncl], cnts[1, 0:ncl])
    cnt_at = (cnts[0, off_at:off_at + n], cnts[1, off_at:off_at + n])
    cnt_b = (cnts[0, off_b:off_b + g], cnts[1, off_b:off_b + g])
    cnt_tb = (cnts[0, off_tb:off_tb + g], cnts[1, off_tb:off_tb + g])

    flat_emb = p['atom_emb'].reshape(9 * 100, H)
    h = _seg_sum(flat_emb, enc_gp, enc_sp, 900, n)
    x_cl = _clique_enc(clique_attr, p['clique_emb'])
    bond_tabs = _bond_tables(p['bond_emb'])

    for l in range(L):
        agg = _seg_sum(h, e_gp, e_sp, n, n, bond_tabs[l], e_ep, 216, ch=64)
        h = _mlp(h, agg, p['eps_atom'][l], p['atom_w1'][l], p['atom_b1'][l],
                 p['atom_g1'][l], p['atom_be1'][l], p['atom_w2'][l],
                 p['atom_b2'][l], p['atom_bn_g'][l], p['atom_bn_b'][l])
        s_m = _seg_sum(h, a2c_gp, a2c_sp, n, ncl)
        x_cl = _mean_lin_add(x_cl, s_m, cnt_cl, p['a2c_w'][l], p['a2c_b'][l])
        aggc = _seg_sum(x_cl, t_gp, t_sp, ncl, ncl)
        x_cl = _mlp(x_cl, aggc, p['eps_clique'][l], p['cl_w1'][l],
                    p['cl_b1'][l], p['cl_g1'][l], p['cl_be1'][l],
                    p['cl_w2'][l], p['cl_b2'][l], p['cl_bn_g'][l],
                    p['cl_bn_b'][l])
        s_mc = _seg_sum(x_cl, c2a_gp, c2a_sp, ncl, n)
        h = _mean_lin_add(h, s_mc, cnt_at, p['c2a_w'][l], p['c2a_b'][l])

    ro = _seg_sum(jnp.concatenate([h, x_cl], axis=0), ro_gp, ro_sp,
                  n + ncl, 2 * g)
    hs = ro[:g]
    cs = ro[g:]
    return _final(hs, cnt_b, cs, cnt_tb, p['atom_lin_w'], p['atom_lin_b'],
                  p['clique_lin_w'], p['clique_lin_b'], p['lin_w'], p['lin_b'])

# --- scband reference (transcript-rebuilt; emitter-appended) ---
"""Pipeline reference for scband-himp-net-46179488367201 (READ-ONLY COPY).

The authoritative reference and input builder live on the scoring server;
editing this copy changes nothing except your own understanding.
"""

import jax, jax.numpy as jnp
import numpy as np

N_NODES = 10000
N_EDGES = 160000
N_CLIQUES = 2000
N_A2C = 20000
N_TREE_EDGES = 4000
N_GRAPHS = 256
H = 256
L = 3
IN_SUB = 32
OUT = 256


def _linear(x, w, b):
    return x @ w + b


def _bn(x, g, b):
    m = jnp.mean(x, axis=0)
    v = jnp.var(x, axis=0)
    return g * (x - m) / jnp.sqrt(v + 1e-5) + b


def _seg_mean(data, ids, n):
    s = jax.ops.segment_sum(data, ids, num_segments=n)
    c = jax.ops.segment_sum(jnp.ones((data.shape[0], 1), dtype=data.dtype), ids, num_segments=n)
    return s / jnp.maximum(c, 1.0)


def _make_params(key):
    ks = jax.random.split(key, 16)

    def nrm(k, shape):
        return jax.random.normal(k, shape, dtype=jnp.float32) * 0.02

    p = {}
    p['atom_emb'] = nrm(ks[0], (9, 100, H))
    p['clique_emb'] = nrm(ks[1], (IN_SUB, H))
    p['bond_emb'] = nrm(ks[2], (L, 3, 6, H))
    p['eps_atom'] = jnp.zeros((L,), jnp.float32)
    p['eps_clique'] = jnp.zeros((L,), jnp.float32)
    p['atom_w1'] = nrm(ks[3], (L, H, 2 * H)); p['atom_b1'] = jnp.zeros((L, 2 * H), jnp.float32)
    p['atom_g1'] = jnp.ones((L, 2 * H), jnp.float32); p['atom_be1'] = jnp.zeros((L, 2 * H), jnp.float32)
    p['atom_w2'] = nrm(ks[4], (L, 2 * H, H)); p['atom_b2'] = jnp.zeros((L, H), jnp.float32)
    p['atom_bn_g'] = jnp.ones((L, H), jnp.float32); p['atom_bn_b'] = jnp.zeros((L, H), jnp.float32)
    p['cl_w1'] = nrm(ks[5], (L, H, 2 * H)); p['cl_b1'] = jnp.zeros((L, 2 * H), jnp.float32)
    p['cl_g1'] = jnp.ones((L, 2 * H), jnp.float32); p['cl_be1'] = jnp.zeros((L, 2 * H), jnp.float32)
    p['cl_w2'] = nrm(ks[6], (L, 2 * H, H)); p['cl_b2'] = jnp.zeros((L, H), jnp.float32)
    p['cl_bn_g'] = jnp.ones((L, H), jnp.float32); p['cl_bn_b'] = jnp.zeros((L, H), jnp.float32)
    p['a2c_w'] = nrm(ks[7], (L, H, H)); p['a2c_b'] = jnp.zeros((L, H), jnp.float32)
    p['c2a_w'] = nrm(ks[8], (L, H, H)); p['c2a_b'] = jnp.zeros((L, H), jnp.float32)
    p['atom_lin_w'] = nrm(ks[9], (H, H)); p['atom_lin_b'] = jnp.zeros((H,), jnp.float32)
    p['clique_lin_w'] = nrm(ks[10], (H, H)); p['clique_lin_b'] = jnp.zeros((H,), jnp.float32)
    p['lin_w'] = nrm(ks[11], (H, OUT)); p['lin_b'] = jnp.zeros((OUT,), jnp.float32)
    return p


def setup_inputs(seed: int = 0):
    key = jax.random.key(seed)
    ks = jax.random.split(key, 12)
    inp = {}
    inp['params'] = _make_params(ks[0])
    inp['clique_attr'] = jax.random.normal(ks[1], (N_CLIQUES, IN_SUB), dtype=jnp.float32)
    inp['x'] = jax.random.randint(ks[2], (N_NODES, 9), 0, 100, dtype=jnp.int32)
    inp['edge_index'] = jax.random.randint(ks[3], (2, N_EDGES), 0, N_NODES, dtype=jnp.int32)
    inp['edge_attr'] = jax.random.randint(ks[4], (N_EDGES, 3), 0, 6, dtype=jnp.int32)
    inp['a2c_atom'] = jax.random.randint(ks[5], (N_A2C,), 0, N_NODES, dtype=jnp.int32)
    inp['a2c_clique'] = jax.random.randint(ks[6], (N_A2C,), 0, N_CLIQUES, dtype=jnp.int32)
    inp['tree_edge_index'] = jax.random.randint(ks[7], (2, N_TREE_EDGES), 0, N_CLIQUES, dtype=jnp.int32)
    inp['batch'] = jnp.sort(jax.random.randint(ks[8], (N_NODES,), 0, N_GRAPHS, dtype=jnp.int32))
    inp['tree_batch'] = jnp.sort(jax.random.randint(ks[9], (N_CLIQUES,), 0, N_GRAPHS, dtype=jnp.int32))
    return inp


def reference(params, clique_attr, x, edge_index, edge_attr, a2c_atom, a2c_clique, tree_edge_index, batch, tree_batch):
    # AtomEncoder: sum of 9 categorical embeddings
    h = jnp.zeros((x.shape[0], H), jnp.float32)
    for i in range(9):
        h = h + params['atom_emb'][i][x[:, i]]
    # CliqueEncoder (encoding_size_scaling=False): argmax one-hot -> embedding
    x_clique = params['clique_emb'][jnp.argmax(clique_attr, axis=1)]
    src = edge_index[0]; dst = edge_index[1]
    ts = tree_edge_index[0]; td = tree_edge_index[1]
    for l in range(L):
        # BondEncoder: sum of 3 categorical embeddings
        e = jnp.zeros((edge_attr.shape[0], H), jnp.float32)
        for i in range(3):
            e = e + params['bond_emb'][l, i][edge_attr[:, i]]
        # GINEConv: nn((1+eps)*x + sum_j relu(x_j + e_ij))
        msg = jax.nn.relu(h[src] + e)
        agg = jax.ops.segment_sum(msg, dst, num_segments=N_NODES)
        z = (1.0 + params['eps_atom'][l]) * h + agg
        z = _linear(z, params['atom_w1'][l], params['atom_b1'][l])
        z = _bn(z, params['atom_g1'][l], params['atom_be1'][l])
        z = jax.nn.relu(z)
        z = _linear(z, params['atom_w2'][l], params['atom_b2'][l])
        h = jax.nn.relu(_bn(z, params['atom_bn_g'][l], params['atom_bn_b'][l]))
        # atom -> clique (mean scatter)
        m = _seg_mean(h[a2c_atom], a2c_clique, N_CLIQUES)
        x_clique = x_clique + jax.nn.relu(_linear(m, params['a2c_w'][l], params['a2c_b'][l]))
        # GINConv on clique tree
        aggc = jax.ops.segment_sum(x_clique[ts], td, num_segments=N_CLIQUES)
        zc = (1.0 + params['eps_clique'][l]) * x_clique + aggc
        zc = _linear(zc, params['cl_w1'][l], params['cl_b1'][l])
        zc = _bn(zc, params['cl_g1'][l], params['cl_be1'][l])
        zc = jax.nn.relu(zc)
        zc = _linear(zc, params['cl_w2'][l], params['cl_b2'][l])
        x_clique = jax.nn.relu(_bn(zc, params['cl_bn_g'][l], params['cl_bn_b'][l]))
        # clique -> atom (mean scatter)
        mc = _seg_mean(x_clique[a2c_clique], a2c_atom, N_NODES)
        h = h + jax.nn.relu(_linear(mc, params['c2a_w'][l], params['c2a_b'][l]))
    # graph-level readout
    xg = _linear(_seg_mean(h, batch, N_GRAPHS), params['atom_lin_w'], params['atom_lin_b'])
    xc = _linear(_seg_mean(x_clique, tree_batch, N_GRAPHS), params['clique_lin_w'], params['clique_lin_b'])
    out = jax.nn.relu(xg + xc)
    return _linear(out, params['lin_w'], params['lin_b'])

if __name__ == "__main__":
    import jax
    _d = setup_inputs()
    print(jax.jit(kernel)(*tuple(_d.values())))

</pallas_src>

<mosaic_0001>
#map = affine_map<(d0, d1) -> (0)>
#map1 = affine_map<(d0, d1) -> (0, 0)>
#map2 = affine_map<(d0, d1) -> (0, 0, 0)>
module attributes {stable_mosaic.version = 14 : i64} {
  func.func @k(%arg0: i32, %arg1: i32, %arg2: memref<57344xi32, #tpu.memory_space<hbm>>, %arg3: memref<128x128xf32, #tpu.memory_space<hbm>>, %arg4: memref<12544x128xf32, #tpu.memory_space<hbm>>, %arg5: memref<2x12544x128xf32, #tpu.memory_space<hbm>>, %arg6: memref<128x128xf32, #tpu.memory_space<vmem>>, %arg7: memref<128xi32, #tpu.memory_space<vmem>>, %arg8: memref<!tpu.dma_semaphore, #tpu.memory_space<semaphore_mem>>, %arg9: memref<!tpu.dma_semaphore, #tpu.memory_space<semaphore_mem>>, %arg10: memref<128xi32, #tpu.memory_space<vmem>>, %arg11: memref<!tpu.dma_semaphore, #tpu.memory_space<semaphore_mem>>, %arg12: memref<!tpu.dma_semaphore, #tpu.memory_space<semaphore_mem>>, %arg13: memref<12544x128xf32, #tpu.memory_space<vmem_shared>>) attributes {dimension_semantics = [#tpu.dimension_semantics<core_parallel>, #tpu.dimension_semantics<subcore_parallel>], iteration_bounds = array<i64: 2, 16>, scalar_prefetch = 0 : i64, scratch_operands = 8 : i64, tpu.core_type = #tpu.core_type<sc_vector_subcore>, window_params = [{transform_indices = #map}, {transform_indices = #map1}, {transform_indices = #map1}, {transform_indices = #map2}]} {
    %mul3A = arith.constant 16 : i32
    %mul3A_0 = arith.muli %arg0, %mul3A : i32
    %add3A = arith.addi %mul3A_0, %arg1 : i32
    %mul3A_1 = arith.constant 1792 : i32
    %mul3A_2 = arith.muli %add3A, %mul3A_1 : i32
    "tpu.region"() ({
      %run_scoped3A = tpu.sem_alloc : memref<!tpu.dma_semaphore, #tpu.memory_space<semaphore_mem>>
      tpu.enqueue_dma source(%arg3 : memref<128x128xf32, #tpu.memory_space<hbm>>) target(%arg6 : memref<128x128xf32, #tpu.memory_space<vmem>>) target_semaphore(%run_scoped3A : memref<!tpu.dma_semaphore, #tpu.memory_space<semaphore_mem>>)
      tpu.wait_dma2 semaphore(%run_scoped3A : memref<!tpu.dma_semaphore, #tpu.memory_space<semaphore_mem>>) src(%arg3 : memref<128x128xf32, #tpu.memory_space<hbm>>) dst(%arg6 : memref<128x128xf32, #tpu.memory_space<vmem>>)
      tpu.yield
    }) : () -> ()
    %mul3A_3 = arith.constant 784 : i32
    %mul3A_4 = arith.muli %arg1, %mul3A_3 : i32
    %mul3A_5 = arith.constant 784 : i32
    %mul3A_6 = arith.muli %arg1, %mul3A_5 : i32
    "tpu.region"() ({
      %run_scoped3A = tpu.sem_alloc : memref<!tpu.dma_semaphore, #tpu.memory_space<semaphore_mem>>
      %dma_start3A_49 = arith.constant 0 : i32
      %dma_start3A_50 = tpu.memref_slice %arg13[%mul3A_6, %dma_start3A_49] : memref<12544x128xf32, #tpu.memory_space<vmem_shared>> -> memref<784x128xf32, #tpu.memory_space<vmem_shared>>
      %dma_start3A_51 = arith.constant 0 : i32
      %dma_start3A_52 = tpu.memref_slice %arg4[%mul3A_4, %dma_start3A_51] : memref<12544x128xf32, #tpu.memory_space<hbm>> -> memref<784x128xf32, #tpu.memory_space<hbm>>
      tpu.enqueue_dma source(%dma_start3A_52 : memref<784x128xf32, #tpu.memory_space<hbm>>) target(%dma_start3A_50 : memref<784x128xf32, #tpu.memory_space<vmem_shared>>) target_semaphore(%run_scoped3A : memref<!tpu.dma_semaphore, #tpu.memory_space<semaphore_mem>>)
      %dma_wait3A_53 = arith.constant 0 : i32
      %dma_wait3A_54 = tpu.memref_slice %arg13[%mul3A_6, %dma_wait3A_53] : memref<12544x128xf32, #tpu.memory_space<vmem_shared>> -> memref<784x128xf32, #tpu.memory_space<vmem_shared>>
      %dma_wait3A_55 = arith.constant 0 : i32
      %dma_wait3A_56 = tpu.memref_slice %arg4[%mul3A_4, %dma_wait3A_55] : memref<12544x128xf32, #tpu.memory_space<hbm>> -> memref<784x128xf32, #tpu.memory_space<hbm>>
      tpu.wait_dma2 semaphore(%run_scoped3A : memref<!tpu.dma_semaphore, #tpu.memory_space<semaphore_mem>>) src(%dma_wait3A_56 : memref<784x128xf32, #tpu.memory_space<hbm>>) dst(%dma_wait3A_54 : memref<784x128xf32, #tpu.memory_space<vmem_shared>>)
      tpu.yield
    }) : () -> ()
    %barrier3A = arith.constant 0 : index
    tpu.barrier barrier_id(%barrier3A)
    %add3A_7 = arith.constant 0 : i32
    %add3A_8 = arith.addi %mul3A_2, %add3A_7 : i32
    %dma_start3A = tpu.memref_slice %arg2[%add3A_8] : memref<57344xi32, #tpu.memory_space<hbm>> -> memref<128xi32, #tpu.memory_space<hbm>>
    %dma_start3A_9 = tpu.memref_slice %arg2[%add3A_8] : memref<57344xi32, #tpu.memory_space<hbm>> -> memref<128xi32, #tpu.memory_space<hbm>>
    tpu.enqueue_dma source(%dma_start3A_9 : memref<128xi32, #tpu.memory_space<hbm>>) target(%arg7 : memref<128xi32, #tpu.memory_space<vmem>>) target_semaphore(%arg8 : memref<!tpu.dma_semaphore, #tpu.memory_space<semaphore_mem>>)
    %add3A_10 = arith.constant 128 : i32
    %add3A_11 = arith.addi %mul3A_2, %add3A_10 : i32
    %dma_start3A_12 = tpu.memref_slice %arg2[%add3A_11] : memref<57344xi32, #tpu.memory_space<hbm>> -> memref<128xi32, #tpu.memory_space<hbm>>
    %dma_start3A_13 = tpu.memref_slice %arg2[%add3A_11] : memref<57344xi32, #tpu.memory_space<hbm>> -> memref<128xi32, #tpu.memory_space<hbm>>
    tpu.enqueue_dma source(%dma_start3A_13 : memref<128xi32, #tpu.memory_space<hbm>>) target(%arg10 : memref<128xi32, #tpu.memory_space<vmem>>) target_semaphore(%arg11 : memref<!tpu.dma_semaphore, #tpu.memory_space<semaphore_mem>>)
    %scan3A = arith.constant 0 : i32
    %scan3A_14 = arith.constant 0 : i32
    %scan3A_15 = arith.constant 6 : i32
    %scan3A_16 = arith.addi %scan3A_14, %scan3A_15 : i32
    %scan3A_17 = arith.constant 1 : i32
    scf.for %scan3A_49 = %scan3A_14 to %scan3A_16 step %scan3A_17  : i32 {
      %dma_wait3A_50 = arith.constant 0 : i32
      %dma_wait3A_51 = tpu.memref_slice %arg2[%dma_wait3A_50] : memref<57344xi32, #tpu.memory_space<hbm>> -> memref<128xi32, #tpu.memory_space<hbm>>
      %dma_wait3A_52 = arith.constant 0 : i32
      %dma_wait3A_53 = tpu.memref_slice %arg2[%dma_wait3A_52] : memref<57344xi32, #tpu.memory_space<hbm>> -> memref<128xi32, #tpu.memory_space<hbm>>
      tpu.wait_dma2 semaphore(%arg8 : memref<!tpu.dma_semaphore, #tpu.memory_space<semaphore_mem>>) src(%dma_wait3A_53 : memref<128xi32, #tpu.memory_space<hbm>>) dst(%arg7 : memref<128xi32, #tpu.memory_space<vmem>>)
      %dma_start3A_54 = arith.constant 0 : i32
      %dma_start3A_55 = arith.constant 0 : i32
      %dma_start3A_56 = tpu.memref_slice %arg13[%dma_start3A_54, %dma_start3A_55] : memref<12544x128xf32, #tpu.memory_space<vmem_shared>> -> memref<12544x128xf32, #tpu.memory_space<vmem_shared>>
      tpu.enqueue_indirect_dma source(%arg6 : memref<128x128xf32, #tpu.memory_space<vmem>>) target(%dma_start3A_56 : memref<12544x128xf32, #tpu.memory_space<vmem_shared>>) offsets(%arg7 : memref<128xi32, #tpu.memory_space<vmem>>) semaphore(%arg9 : memref<!tpu.dma_semaphore, #tpu.memory_space<semaphore_mem>>) {add = true}
      %dma_wait3A_57 = arith.constant 0 : i32
      %dma_wait3A_58 = tpu.memref_slice %arg2[%dma_wait3A_57] : memref<57344xi32, #tpu.memory_space<hbm>> -> memref<128xi32, #tpu.memory_space<hbm>>
      %dma_wait3A_59 = arith.constant 0 : i32
      %dma_wait3A_60 = tpu.memref_slice %arg2[%dma_wait3A_59] : memref<57344xi32, #tpu.memory_space<hbm>> -> memref<128xi32, #tpu.memory_space<hbm>>
      tpu.wait_dma2 semaphore(%arg11 : memref<!tpu.dma_semaphore, #tpu.memory_space<semaphore_mem>>) src(%dma_wait3A_60 : memref<128xi32, #tpu.memory_space<hbm>>) dst(%arg10 : memref<128xi32, #tpu.memory_space<vmem>>)
      %dma_start3A_61 = arith.constant 0 : i32
      %dma_start3A_62 = arith.constant 0 : i32
      %dma_start3A_63 = tpu.memref_slice %arg13[%dma_start3A_61, %dma_start3A_62] : memref<12544x128xf32, #tpu.memory_space<vmem_shared>> -> memref<12544x128xf32, #tpu.memory_space<vmem_shared>>
      tpu.enqueue_indirect_dma source(%arg6 : memref<128x128xf32, #tpu.memory_space<vmem>>) target(%dma_start3A_63 : memref<12544x128xf32, #tpu.memory_space<vmem_shared>>) offsets(%arg10 : memref<128xi32, #tpu.memory_space<vmem>>) semaphore(%arg12 : memref<!tpu.dma_semaphore, #tpu.memory_space<semaphore_mem>>) {add = true}
      %dma_wait3A_64 = arith.constant 0 : i32
      %dma_wait3A_65 = arith.constant 0 : i32
      %dma_wait3A_66 = tpu.memref_slice %arg13[%dma_wait3A_64, %dma_wait3A_65] : memref<12544x128xf32, #tpu.memory_space<vmem_shared>> -> memref<128x128xf32, #tpu.memory_space<vmem_shared>>
      %dma_wait3A_67 = arith.constant 0 : i32
      %dma_wait3A_68 = arith.constant 0 : i32
      %dma_wait3A_69 = tpu.memref_slice %arg13[%dma_wait3A_67, %dma_wait3A_68] : memref<12544x128xf32, #tpu.memory_space<vmem_shared>> -> memref<128x128xf32, #tpu.memory_space<vmem_shared>>
      tpu.wait_dma2 semaphore(%arg9 : memref<!tpu.dma_semaphore, #tpu.memory_space<semaphore_mem>>) src(%arg6 : memref<128x128xf32, #tpu.memory_space<vmem>>) dst(%dma_wait3A_69 : memref<128x128xf32, #tpu.memory_space<vmem_shared>>)
      %add3A_70 = arith.constant 1 : i32
      %add3A_71 = arith.addi %scan3A_49, %add3A_70 : i32
      %mul3A_72 = arith.constant 2 : i32
      %mul3A_73 = arith.muli %mul3A_72, %add3A_71 : i32
      %add3A_74 = arith.constant 0 : i32
      %add3A_75 = arith.addi %mul3A_73, %add3A_74 : i32
      %mul3A_76 = arith.constant 128 : i32
      %mul3A_77 = arith.muli %add3A_75, %mul3A_76 : i32
      %add3A_78 = arith.addi %mul3A_2, %mul3A_77 : i32
      %dma_start3A_79 = tpu.memref_slice %arg2[%add3A_78] : memref<57344xi32, #tpu.memory_space<hbm>> -> memref<128xi32, #tpu.memory_space<hbm>>
      %dma_start3A_80 = tpu.memref_slice %arg2[%add3A_78] : memref<57344xi32, #tpu.memory_space<hbm>> -> memref<128xi32, #tpu.memory_space<hbm>>
      tpu.enqueue_dma source(%dma_start3A_80 : memref<128xi32, #tpu.memory_space<hbm>>) target(%arg7 : memref<128xi32, #tpu.memory_space<vmem>>) target_semaphore(%arg8 : memref<!tpu.dma_semaphore, #tpu.memory_space<semaphore_mem>>)
      %dma_wait3A_81 = arith.constant 0 : i32
      %dma_wait3A_82 = arith.constant 0 : i32
      %dma_wait3A_83 = tpu.memref_slice %arg13[%dma_wait3A_81, %dma_wait3A_82] : memref<12544x128xf32, #tpu.memory_space<vmem_shared>> -> memref<128x128xf32, #tpu.memory_space<vmem_shared>>
      %dma_wait3A_84 = arith.constant 0 : i32
      %dma_wait3A_85 = arith.constant 0 : i32
      %dma_wait3A_86 = tpu.memref_slice %arg13[%dma_wait3A_84, %dma_wait3A_85] : memref<12544x128xf32, #tpu.memory_space<vmem_shared>> -> memref<128x128xf32, #tpu.memory_space<vmem_shared>>
      tpu.wait_dma2 semaphore(%arg12 : memref<!tpu.dma_semaphore, #tpu.memory_space<semaphore_mem>>) src(%arg6 : memref<128x128xf32, #tpu.memory_space<vmem>>) dst(%dma_wait3A_86 : memref<128x128xf32, #tpu.memory_space<vmem_shared>>)
      %add3A_87 = arith.constant 1 : i32
      %add3A_88 = arith.addi %scan3A_49, %add3A_87 : i32
      %mul3A_89 = arith.constant 2 : i32
      %mul3A_90 = arith.muli %mul3A_89, %add3A_88 : i32
      %add3A_91 = arith.constant 1 : i32
      %add3A_92 = arith.addi %mul3A_90, %add3A_91 : i32
      %mul3A_93 = arith.constant 128 : i32
      %mul3A_94 = arith.muli %add3A_92, %mul3A_93 : i32
      %add3A_95 = arith.addi %mul3A_2, %mul3A_94 : i32
      %dma_start3A_96 = tpu.memref_slice %arg2[%add3A_95] : memref<57344xi32, #tpu.memory_space<hbm>> -> memref<128xi32, #tpu.memory_space<hbm>>
      %dma_start3A_97 = tpu.memref_slice %arg2[%add3A_95] : memref<57344xi32, #tpu.memory_space<hbm>> -> memref<128xi32, #tpu.memory_space<hbm>>
      tpu.enqueue_dma source(%dma_start3A_97 : memref<128xi32, #tpu.memory_space<hbm>>) target(%arg10 : memref<128xi32, #tpu.memory_space<vmem>>) target_semaphore(%arg11 : memref<!tpu.dma_semaphore, #tpu.memory_space<semaphore_mem>>)
    }
    %scan3A_18 = arith.constant 6 : i32
    %dma_wait3A = arith.constant 0 : i32
    %dma_wait3A_19 = tpu.memref_slice %arg2[%dma_wait3A] : memref<57344xi32, #tpu.memory_space<hbm>> -> memref<128xi32, #tpu.memory_space<hbm>>
    %dma_wait3A_20 = arith.constant 0 : i32
    %dma_wait3A_21 = tpu.memref_slice %arg2[%dma_wait3A_20] : memref<57344xi32, #tpu.memory_space<hbm>> -> memref<128xi32, #tpu.memory_space<hbm>>
    tpu.wait_dma2 semaphore(%arg8 : memref<!tpu.dma_semaphore, #tpu.memory_space<semaphore_mem>>) src(%dma_wait3A_21 : memref<128xi32, #tpu.memory_space<hbm>>) dst(%arg7 : memref<128xi32, #tpu.memory_space<vmem>>)
    %dma_start3A_22 = arith.constant 0 : i32
    %dma_start3A_23 = arith.constant 0 : i32
    %dma_start3A_24 = tpu.memref_slice %arg13[%dma_start3A_22, %dma_start3A_23] : memref<12544x128xf32, #tpu.memory_space<vmem_shared>> -> memref<12544x128xf32, #tpu.memory_space<vmem_shared>>
    tpu.enqueue_indirect_dma source(%arg6 : memref<128x128xf32, #tpu.memory_space<vmem>>) target(%dma_start3A_24 : memref<12544x128xf32, #tpu.memory_space<vmem_shared>>) offsets(%arg7 : memref<128xi32, #tpu.memory_space<vmem>>) semaphore(%arg9 : memref<!tpu.dma_semaphore, #tpu.memory_space<semaphore_mem>>) {add = true}
    %dma_wait3A_25 = arith.constant 0 : i32
    %dma_wait3A_26 = tpu.memref_slice %arg2[%dma_wait3A_25] : memref<57344xi32, #tpu.memory_space<hbm>> -> memref<128xi32, #tpu.memory_space<hbm>>
    %dma_wait3A_27 = arith.constant 0 : i32
    %dma_wait3A_28 = tpu.memref_slice %arg2[%dma_wait3A_27] : memref<57344xi32, #tpu.memory_space<hbm>> -> memref<128xi32, #tpu.memory_space<hbm>>
    tpu.wait_dma2 semaphore(%arg11 : memref<!tpu.dma_semaphore, #tpu.memory_space<semaphore_mem>>) src(%dma_wait3A_28 : memref<128xi32, #tpu.memory_space<hbm>>) dst(%arg10 : memref<128xi32, #tpu.memory_space<vmem>>)
    %dma_start3A_29 = arith.constant 0 : i32
    %dma_start3A_30 = arith.constant 0 : i32
    %dma_start3A_31 = tpu.memref_slice %arg13[%dma_start3A_29, %dma_start3A_30] : memref<12544x128xf32, #tpu.memory_space<vmem_shared>> -> memref<12544x128xf32, #tpu.memory_space<vmem_shared>>
    tpu.enqueue_indirect_dma source(%arg6 : memref<128x128xf32, #tpu.memory_space<vmem>>) target(%dma_start3A_31 : memref<12544x128xf32, #tpu.memory_space<vmem_shared>>) offsets(%arg10 : memref<128xi32, #tpu.memory_space<vmem>>) semaphore(%arg12 : memref<!tpu.dma_semaphore, #tpu.memory_space<semaphore_mem>>) {add = true}
    %dma_wait3A_32 = arith.constant 0 : i32
    %dma_wait3A_33 = arith.constant 0 : i32
    %dma_wait3A_34 = tpu.memref_slice %arg13[%dma_wait3A_32, %dma_wait3A_33] : memref<12544x128xf32, #tpu.memory_space<vmem_shared>> -> memref<128x128xf32, #tpu.memory_space<vmem_shared>>
    %dma_wait3A_35 = arith.constant 0 : i32
    %dma_wait3A_36 = arith.constant 0 : i32
    %dma_wait3A_37 = tpu.memref_slice %arg13[%dma_wait3A_35, %dma_wait3A_36] : memref<12544x128xf32, #tpu.memory_space<vmem_shared>> -> memref<128x128xf32, #tpu.memory_space<vmem_shared>>
    tpu.wait_dma2 semaphore(%arg9 : memref<!tpu.dma_semaphore, #tpu.memory_space<semaphore_mem>>) src(%arg6 : memref<128x128xf32, #tpu.memory_space<vmem>>) dst(%dma_wait3A_37 : memref<128x128xf32, #tpu.memory_space<vmem_shared>>)
    %dma_wait3A_38 = arith.constant 0 : i32
    %dma_wait3A_39 = arith.constant 0 : i32
    %dma_wait3A_40 = tpu.memref_slice %arg13[%dma_wait3A_38, %dma_wait3A_39] : memref<12544x128xf32, #tpu.memory_space<vmem_shared>> -> memref<128x128xf32, #tpu.memory_space<vmem_shared>>
    %dma_wait3A_41 = arith.constant 0 : i32
    %dma_wait3A_42 = arith.constant 0 : i32
    %dma_wait3A_43 = tpu.memref_slice %arg13[%dma_wait3A_41, %dma_wait3A_42] : memref<12544x128xf32, #tpu.memory_space<vmem_shared>> -> memref<128x128xf32, #tpu.memory_space<vmem_shared>>
    tpu.wait_dma2 semaphore(%arg12 : memref<!tpu.dma_semaphore, #tpu.memory_space<semaphore_mem>>) src(%arg6 : memref<128x128xf32, #tpu.memory_space<vmem>>) dst(%dma_wait3A_43 : memref<128x128xf32, #tpu.memory_space<vmem_shared>>)
    %barrier3A_44 = arith.constant 0 : index
    tpu.barrier barrier_id(%barrier3A_44)
    %mul3A_45 = arith.constant 784 : i32
    %mul3A_46 = arith.muli %arg1, %mul3A_45 : i32
    %mul3A_47 = arith.constant 784 : i32
    %mul3A_48 = arith.muli %arg1, %mul3A_47 : i32
    "tpu.region"() ({
      %run_scoped3A = tpu.sem_alloc : memref<!tpu.dma_semaphore, #tpu.memory_space<semaphore_mem>>
      %dma_start3A_49 = arith.constant 0 : i32
      %dma_start3A_50 = arith.constant 0 : i32
      %dma_start3A_51 = tpu.memref_slice %arg5[%arg0, %dma_start3A_49, %dma_start3A_50] : memref<2x12544x128xf32, #tpu.memory_space<hbm>> -> memref<1x12544x128xf32, #tpu.memory_space<hbm>>
      %dma_start3A_52 = tpu.memref_squeeze %dma_start3A_51 : memref<1x12544x128xf32, #tpu.memory_space<hbm>> -> memref<12544x128xf32, #tpu.memory_space<hbm>>
      %dma_start3A_53 = arith.constant 0 : i32
      %dma_start3A_54 = tpu.memref_slice %dma_start3A_52[%mul3A_48, %dma_start3A_53] : memref<12544x128xf32, #tpu.memory_space<hbm>> -> memref<784x128xf32, #tpu.memory_space<hbm>>
      %dma_start3A_55 = arith.constant 0 : i32
      %dma_start3A_56 = tpu.memref_slice %arg13[%mul3A_46, %dma_start3A_55] : memref<12544x128xf32, #tpu.memory_space<vmem_shared>> -> memref<784x128xf32, #tpu.memory_space<vmem_shared>>
      tpu.enqueue_dma source(%dma_start3A_56 : memref<784x128xf32, #tpu.memory_space<vmem_shared>>) target(%dma_start3A_54 : memref<784x128xf32, #tpu.memory_space<hbm>>) target_semaphore(%run_scoped3A : memref<!tpu.dma_semaphore, #tpu.memory_space<semaphore_mem>>)
      %dma_wait3A_57 = arith.constant 0 : i32
      %dma_wait3A_58 = arith.constant 0 : i32
      %dma_wait3A_59 = tpu.memref_slice %arg5[%arg0, %dma_wait3A_57, %dma_wait3A_58] : memref<2x12544x128xf32, #tpu.memory_space<hbm>> -> memref<1x12544x128xf32, #tpu.memory_space<hbm>>
      %dma_wait3A_60 = tpu.memref_squeeze %dma_wait3A_59 : memref<1x12544x128xf32, #tpu.memory_space<hbm>> -> memref<12544x128xf32, #tpu.memory_space<hbm>>
      %dma_wait3A_61 = arith.constant 0 : i32
      %dma_wait3A_62 = tpu.memref_slice %dma_wait3A_60[%mul3A_48, %dma_wait3A_61] : memref<12544x128xf32, #tpu.memory_space<hbm>> -> memref<784x128xf32, #tpu.memory_space<hbm>>
      %dma_wait3A_63 = arith.constant 0 : i32
      %dma_wait3A_64 = tpu.memref_slice %arg13[%mul3A_46, %dma_wait3A_63] : memref<12544x128xf32, #tpu.memory_space<vmem_shared>> -> memref<784x128xf32, #tpu.memory_space<vmem_shared>>
      tpu.wait_dma2 semaphore(%run_scoped3A : memref<!tpu.dma_semaphore, #tpu.memory_space<semaphore_mem>>) src(%dma_wait3A_64 : memref<784x128xf32, #tpu.memory_space<vmem_shared>>) dst(%dma_wait3A_62 : memref<784x128xf32, #tpu.memory_space<hbm>>)
      tpu.yield
    }) : () -> ()
    return
  }
}

</mosaic_0001>

<sc_bundles>
// kernel: _sc_counts.3.cloned.1.call-start
scs
__scs_entry_jumppad:
0x0: {  	(pc) =	sbr.rel $0x88, $3  }
0x1: {  	(tag) =	ssettag $0x0;
	lr =	simm.s32 $0x1  }
0x2: {  	[smem:$0x3F9E] =	sst lr;
	_ =	strace $0xD0000000  }
0x3: {  	_ = 	snop  }
0x4: {  	_ = 	snop  }
0x5: {  	_ = 	snop  }
0x6: {  	_ = 	snop  }
0x7: {  	_ = 	snop  }
__scs_overlays_trampoline_lowered:
0x8: {  	[smem:$0x3FAD] =	sst s0  }
0x9: {  	[smem:$0x3FAE] =	sst s1  }
0xa: {  	[smem:$0x3FAF] =	sst s2  }
0xb: {  	[smem:$0x3FB0] =	sst s3  }
0xc: {  	[smem:$0x3FB1] =	sst s4  }
0xd: {  	[smem:$0x3FB2] =	sst s5  }
0xe: {  	[smem:$0x3FB3] =	sst s6  }
0xf: {  	[smem:$0x3FB4] =	sst s7  }
0x10: {  	[smem:$0x3FB5] =	sst s8  }
0x11: {  	[smem:$0x3FB6] =	sst s9;
	s0 =	simm.s32 @!p0 $0x0  }
0x12: {  	s1 =	sld [smem:$0x3F9C];
	s0 =	simm.s32 @p0 $0x1  }
0x13: {  	[smem:$0x3FB7] =	sst s0;
	s0 =	simm.s32 @!p1 $0x0  }
0x14: {  	s2 =	sld [smem:$0x3F9B];
	s0 =	simm.s32 @p1 $0x1  }
0x15: {  	[smem:$0x3FB8] =	sst s0;
	s0 =	simm.s32 @!p2 $0x0  }
0x16: {  	s3 =	sld [smem:$0x3FDB];
	s0 =	simm.s32 @p2 $0x1  }
0x17: {  	s4 =	simm.s32 $0x1BF5;
	[smem:$0x3FBA] =	sst s0  }
0x18: {  	s0 =	sld [smem:$0x3F9D];
	_ =	swait.ge [sflag:s4], $0x0  }
0x19: {  	s7 =	sld [smem:$0x3F9E]  }
0x1a: {  	s8 =	sadd.s32 $0xFFFFE003, lr  }
0x1b: {  	s9 =	sadd.s32 $0xFFFFFEF7, lr;
	s5 =	simm.s32 $0xFFFFFFFF;
	p2 =	slt.u32 s8, $0xFFFFF086  }
0x1c: {  	p1 =	slt.u32 s9, $0xF7A;
	s5 =	simm.s32 @!p2 $0x0  }
0x1d: {  	s5 =	simm.s32 @p1 $0x1;
	p0 =	seq.s32 s7, s2  }
0x1e: {  	s7 =	smul.u32 @!p0 $0xF7A, s2;
	p2 =	seq.s32 @!p0 s5, $0x0  }
0x1f: {  	s9 =	smul.u32 $0xF7A, s1;
	s8 =	simm.s32 @!p0 $0x1BF5;
	p2 =	por !p2, p0  }
0x20: {  	[sflag:s8] =	ssyncset.s32 @!p0 $0xFFFFF086;
	s6 =	sadd.s32 @!p0 s3, s7;
	s7 =	simm.s32 @!p0 $0x108  }
0x21: {  	s3 =	sadd.s32 s3, s9;
	s6 =	sadd.s32 @!p0 $0x88, s6;
	s7 =	simm.s32 @p2 $0x1082  }
0x22: {  	[simem:s7], [sflag:s8] =	dma.local @!p0 [hbm:s6], $0xF7A  }
0x23: {  	s9 =	sor.u32 $0xD0000000, s2;
	s6 =	simm.s32 $0x108;
	_ =	swait.ge @!p0 [sflag:s8], $0x0  }
0x24: {  	s3 =	sadd.s32 $0x88, s3;
	s6 =	simm.s32 @!p1 $0x1082;
	[sflag:s4] =	ssyncset.s32 $0xFFFFF086  }
0x25: {  	[simem:s6], [sflag:s4] =	dma.local [hbm:s3], $0xF7A  }
0x26: {  	[smem:$0x3F9E] =	sst s1;
	(tag) =	ssettag s2;
	_ =	strace s9  }
0x27: {  	s1 =	sld [smem:$0x3FAE]  }
0x28: {  	s2 =	sld [smem:$0x3FAF]  }
0x29: {  	s4 =	sld [smem:$0x3FB1]  }
0x2a: {  	p0 =	seq.s32 s5, $0x0;
	s5 =	sld [smem:$0x3FB2]  }
0x2b: {  	s6 =	sld [smem:$0x3FB3]  }
0x2c: {  	s7 =	sld [smem:$0x3FB4]  }
0x2d: {  	s3 =	simm.s32 $0x108;
	s8 =	sld [smem:$0x3FB5]  }
0x2e: {  	s3 =	simm.s32 @!p0 $0x1082;
	s9 =	sld [smem:$0x3FB6]  }
0x2f: {  	lr =	sadd.s32 s0, s3;
	s0 =	sld [smem:$0x3FAD]  }
0x30: {  	s3 =	sld [smem:$0x3FB0]  }
0x31: {  	[smem:$0x3FB9] =	sst s10  }
0x32: {  	s10 =	sld [smem:$0x3FB7];
	_ =	sdelay $0x3  }
0x33: {  	p0 =	seq.s32 s10, $0x1;
	s10 =	sld [smem:$0x3FB9];
	_ =	sdelay $0x3  }
0x34: {  	[smem:$0x3FB9] =	sst s10  }
0x35: {  	s10 =	sld [smem:$0x3FB8];
	_ =	sdelay $0x3  }
0x36: {  	p1 =	seq.s32 s10, $0x1;
	s10 =	sld [smem:$0x3FB9];
	_ =	sdelay $0x3  }
0x37: {  	[smem:$0x3FB9] =	sst s10  }
0x38: {  	s10 =	sld [smem:$0x3FBA]  }
0x39: {  	_ = 	snop;
	(pc) =	sbr.ind lr, $3  }
0x3a: {  	_ = 	snop  }
0x3b: {  	_ = 	snop  }
0x3c: {  	p2 =	seq.s32 s10, $0x1;
	s10 =	sld [smem:$0x3FB9]  }
0x3d: {  	_ =	shalt  }
0x3e: {  	_ =	shalt  }
0x3f: {  	_ =	shalt  }
0x40: {  	_ =	shalt  }
0x41: {  	_ =	shalt  }
0x42: {  	_ =	shalt  }
0x43: {  	_ =	shalt  }
0x44: {  	_ =	shalt  }
0x45: {  	_ =	shalt  }
0x46: {  	_ =	shalt  }
0x47: {  	_ =	shalt  }
0x48: {  	_ =	shalt  }
0x49: {  	_ =	shalt  }
0x4a: {  	_ =	shalt  }
0x4b: {  	_ =	shalt  }
0x4c: {  	_ =	shalt  }
0x4d: {  	_ =	shalt  }
0x4e: {  	_ =	shalt  }
0x4f: {  	_ =	shalt  }
0x50: {  	_ =	shalt  }
0x51: {  	_ =	shalt  }
0x52: {  	_ =	shalt  }
0x53: {  	_ =	shalt  }
0x54: {  	_ =	shalt  }
0x55: {  	_ =	shalt  }
0x56: {  	_ =	shalt  }
0x57: {  	_ =	shalt  }
0x58: {  	_ =	shalt  }
0x59: {  	_ =	shalt  }
0x5a: {  	_ =	shalt  }
0x5b: {  	_ =	shalt  }
0x5c: {  	_ =	shalt  }
0x5d: {  	_ =	shalt  }
0x5e: {  	_ =	shalt  }
0x5f: {  	_ =	shalt  }
0x60: {  	_ =	shalt  }
0x61: {  	_ =	shalt  }
0x62: {  	_ =	shalt  }
0x63: {  	_ =	shalt  }
0x64: {  	_ =	shalt  }
0x65: {  	_ =	shalt  }
0x66: {  	_ =	shalt  }
0x67: {  	_ =	shalt  }
0x68: {  	_ =	shalt  }
0x69: {  	_ =	shalt  }
0x6a: {  	_ =	shalt  }
0x6b: {  	_ =	shalt  }
0x6c: {  	_ =	shalt  }
0x6d: {  	_ =	shalt  }
0x6e: {  	_ =	shalt  }
0x6f: {  	_ =	shalt  }
0x70: {  	_ =	shalt  }
0x71: {  	_ =	shalt  }
0x72: {  	_ =	shalt  }
0x73: {  	_ =	shalt  }
0x74: {  	_ =	shalt  }
0x75: {  	_ =	shalt  }
0x76: {  	_ =	shalt  }
0x77: {  	_ =	shalt  }
0x78: {  	_ =	shalt  }
0x79: {  	_ =	shalt  }
0x7a: {  	_ =	shalt  }
0x7b: {  	_ =	shalt  }
0x7c: {  	_ =	shalt  }
0x7d: {  	_ =	shalt  }
0x7e: {  	_ =	shalt  }
0x7f: {  	_ =	shalt  }
0x80: {  	_ =	shalt  }
0x81: {  	_ =	shalt  }
0x82: {  	_ =	shalt  }
0x83: {  	_ =	shalt  }
0x84: {  	_ =	shalt  }
0x85: {  	_ =	shalt  }
0x86: {  	_ =	shalt  }
0x87: {  	_ =	shalt  }
.Lfunc_end0:
.L_simem_size_0:
called_computation_lowered:
.L_overlay_start_0:
0x88: {  	s2 =	sld [smem:$0x3FD9]  }
0x89: {  	s3 =	sld [smem:$0x3FFE];
	_ =	sdelay $0x1  }
0x8a: {  	s1 =	srdreg.scid  }
0x8b: {  	s0 =	sand.u32 $0x1, s1  }
0x8c: {  	s18 =	sshll.u32 s0, $0xA;
	s2 =	sadd.s32 s3, s2  }
0x8d: {  	s2 =	sadd.s32 s2, s18  }
0x8e: {  	[smem:$0x3FC5] =	sst s2  }
0x8f: {  	_ = 	snop  }
0x90: {  	s2 =	sld [smem:$0x3FC9]  }
0x91: {  	s19 =	sld [smem:$0x3FC8]  }
0x92: {  	s4 =	sld [smem:$0x3FC7]  }
0x93: {  	s5 =	sld [smem:$0x3FD0];
	(tm) =	ssettm $0x1  }
0x94: {  	s6 =	sld [smem:$0x3FFB];
	_ =	sdelay $0x3  }
0x95: {  	_ =	strace s6  }
0x96: {  	s6 =	sld [smem:$0x3FFC];
	_ =	sdelay $0x3  }
0x97: {  	_ =	strace s6  }
0x98: {  	s6 =	sld [smem:$0x3FFD];
	_ =	sdelay $0x3  }
0x99: {  	_ =	strace s6  }
0x9a: {  	_ =	strace $0x8FFFFFFF  }
0x9b: {  	s20 =	sld [smem:$0x3FDB];
	_ =	sdelay $0x1  }
0x9c: {  	s7 =	simm.s32 $_scs_section_size  }
0x9d: {  	s8 =	simm.s32 $_size__tile_overlayer_lowered;
	s9 =	simm.s32 $_tile_overlayer_lowered  }
0x9e: {  	s23 =	simm.s32 $0x1BFF;
	s22 =	sshll.u32 s9, $0x1;
	s6 =	sadd.s32 s7, s20  }
0x9f: {  	s10 =	simm.s32 $0x0;
	s21 =	sshll.u32 s8, $0x1;
	s8 =	sadd.s32 s22, s6  }
0xa0: {  	[timem:s10], [sflag:s23] =	dma.local [hbm:s8], s21  }
0xa1: {  	_ =	swait.ge [sflag:s23], s21  }
0xa2: {  	s7 =	ssub.s32 $0x0, s21;
	[sflag:s23] =	ssyncset.done $0x0  }
0xa3: {  	[sflag:s23] =	ssyncadd.s32 s7;
	_ =	sdelay $0x1  }
0xa4: {  	s24 =	simm.s32 $0x1B8B  }
0xa5: {  	_ =	swait.ge [sflag:s24], $0x1  }
0xa6: {  	[sflag:s24] =	ssyncset.done $0x0  }
0xa7: {  	s25 =	simm.s32 $0x1B8E;
	[sflag:s24] =	ssyncadd.s32 $0xFFFFFFFF  }
0xa8: {  	s26 =	simm.s32 $execute0_lowered;
	[smem:$0x3FD2] =	sst s25  }
0xa9: {  	s7 =	sshll.u32 s26, $0x1;
	_ =	strace $0x80000046;
	[dreg:$0x1] =	wrdreg $0xFFFFFFFF  }
0xaa: {  	s28 =	simm.s32 $_size_execute0_lowered;
	s6 =	sadd.s32 s6, s7;
	[dreg:$0x0] =	wrdreg $0x0  }
0xab: {  	s7 =	sshll.u32 s28, $0x1;
	[dreg:$0x2] =	wrdreg s6  }
0xac: {  	[dreg:$0x3] =	wrdreg s7  }
0xad: {  	[dreg:$0x4] =	wrdreg $0xC0  }
0xae: {  	_ =	task [dreg:s10], $0x5FFFF  }
0xaf: {  	[dreg:$0x1] =	wrdreg $0xFFFFFFFF  }
0xb0: {  	[dreg:$0x0] =	wrdreg $0x60  }
0xb1: {  	[dreg:$0x2] =	wrdreg s2  }
0xb2: {  	[dreg:$0x3] =	wrdreg s19  }
0xb3: {  	[dreg:$0x4] =	wrdreg s4  }
0xb4: {  	[dreg:$0x5] =	wrdreg s5  }
0xb5: {  	[dreg:$0x6] =	wrdreg $0x41000  }
0xb6: {  	[dreg:$0x7] =	wrdreg $0x9  }
0xb7: {  	_ =	task.clear_ibuf [dreg:s10], $0x8FFFF;
	_ =	strace $0x90000046  }
0xb8: {  	s29 =	simm.s32 $0x9;
	_ =	strace $0x80000048  }
0xb9: {  	_ =	swait.ge [sflag:s29], $0x1  }
0xba: {  	[sflag:s29] =	ssyncadd.s32 $0xFFFFFFFF  }
0xbb: {  	_ =	strace $0x90000048  }
0xbc: {  	_ =	sfence  }
0xbd: {  	s30 =	sld [smem:$0x0];
	_ =	sdelay $0x2  }
0xbe: {  	s31 =	sshll.u32 s1, $0xD;
	s1 =	sshrl.u32 s1, $0x2  }
0xbf: {  	s3 =	sand.u32 $0x4000, s31;
	s1 =	sadd.s32 s1, s30  }
0xc0: {  	s0 =	sor.u32 s3, s0;
	s1 =	sshll.u32 s1, $0x11  }
0xc1: {  	s0 =	sor.u32 s1, s0  }
0xc2: {  	s0 =	sadd.s32 $0x8F2B, s0  }
0xc3: {  	[sflag:s0] =	ssyncadd.remote.s32 $0x1  }
0xc4: {  	_ =	sfence.sel $0xFFFF  }
0xc5: {  	[dreg:$0x0] =	wrdreg $0xFFFFFFFF;
	(pc) =	sbr.abs _section_cstart, $3  }
0xc6: {  	[dreg:$0x1] =	wrdreg $0xFFFFFFFF  }
0xc7: {  	_ =	task.clear_ibuf [dreg:s10], $0x2FFFF;
	_ =	strace $0x9FFFFFFF  }
0xc8: {  	(tm) =	ssettm $0x7FFFFFFF  }
0xc9: {  	_ =	shalt  }
tec
execute0_lowered:
.L_overlay_start_1:
0x0: {  	(tag) =	ssettag $0x1  }
0x1: {  	s8 =	rddreg [dreg:$0x0]  }
0x2: {  	s0 =	rddreg [dreg:$0x1]  }
0x3: {  	s5 =	rddreg [dreg:$0x2]  }
0x4: {  	s2 =	rddreg [dreg:$0x4];
	s23 =	srdreg.scid  }
0x5: {  	s3 =	simm.s32 $0x0;
	s1 =	stileid.u32;
	[dreg:$0x6] =	wrdreg s0  }
0x6: {  	[smem:$0x7FF] =	sst s3;
	s0 =	sand.u32 $0x1, s23;
	s4 =	smul.u32 $0x62000, s1  }
0x7: {  	s31 =	smul.u32 $0x3100, s1;
	_ =	strace $0x80000047;
	s7 =	sshll.u32 s0, $0x4  }
0x8: {  	s6 =	rddreg [dreg:$0x6];
	s9 =	sshrl.u32 s4, $0x2;
	s4 =	simm.s32 $0x5  }
0x9: {  	[tilespmem:s3], [sflag:$0x5] =	stream.linear.gather [hbm4b:s6+s3], $0x4000, $0x38;
	[tilespmem:$0x1C900] =	vst v63  }
0xa: {  	s25 =	sshll.u32 s1, $0x6;
	s10 =	sor.u32 s1, s7;
	_ =	swait.ge [sflag:s4], $0x4000  }
0xb: {  	s5 =	sadd.s32 s5, s31;
	s24 =	sadd.s32 s9, s2;
	[sflag:s4] =	ssyncset.done $0x0  }
0xc: {  	s6 =	sor.u32 $0x1C05, s25;
	s7 =	sshrl.u32 s24, $0x3;
	[sflag:s4] =	ssyncadd.s32 $0xFFFFC000  }
0xd: {  	[spmem:s7], [sflag:s6] =	dma.local [hbm:s5], $0x3100  }
0xe: {  	s26 =	smul.u32 $0x700, s10;
	_ =	swait.ge [sflag:s4], $0x3100  }
0xf: {  	[sflag:s4] =	ssyncset.done $0x0  }
0x10: {  	s9 =	sshrl.u32 s26, $0x3;
	[sflag:s4] =	ssyncadd.s32 $0xFFFFCF00  }
0x11: {  	s8 =	sadd.s32 s8, s9;
	s9 =	simm.s32 $0x4000;
	[bflag:$0x0] =	sbarrier.arrive $0xFFFF  }
0x12: {  	[tilespmem:s9], [sflag:$0x1] =	stream.linear.gather [hbm4b:s8+s3], $0x80, $0x38;
	[tilespmem:$0x1C900] =	vst v63  }
0x13: {  	s11 =	simm.s32 $0x4080;
	s12 =	simm.s32 $0x1;
	s10 =	sadd.s32 $0x10, s8  }
0x14: {  	[tilespmem:s11], [sflag:$0x3] =	stream.linear.gather [hbm4b:s10+s3], $0x80, $0x38;
	[tilespmem:$0x1C900] =	vst v63  }
0x15: {  	_ =	swait.ge [sflag:s12], $0x80  }
0x16: {  	[sflag:s12] =	ssyncset.done $0x0  }
0x17: {  	s13 =	simm.s32 $0x80;
	s14 =	simm.s32 $0x3;
	[sflag:s12] =	ssyncadd.s32 $0xFFFFFF80  }
0x18: {  	[spmem:s2] =	stream.indirect.scatter.add.f32 [tilespmem:s3], [sflag:$0x2], $0x80, s9, s13, $0xb8;
	[tilespmem:$0x1C900] =	vst v63  }
0x19: {  	_ =	swait.ge [sflag:s14], $0x80  }
0x1a: {  	[sflag:s14] =	ssyncset.done $0x0  }
0x1b: {  	s15 =	simm.s32 $0x2;
	[sflag:s14] =	ssyncadd.s32 $0xFFFFFF80  }
0x1c: {  	[spmem:s2] =	stream.indirect.scatter.add.f32 [tilespmem:s3], [sflag:$0x4], $0x80, s11, s13, $0xb8;
	[tilespmem:$0x1C900] =	vst v63  }
0x1d: {  	_ =	swait.ge [sflag:s15], $0x4000  }
0x1e: {  	[sflag:s15] =	ssyncset.done $0x0  }
0x1f: {  	s17 =	simm.s32 $0x4;
	s16 =	sadd.s32 $0x20, s8;
	[sflag:s15] =	ssyncadd.s32 $0xFFFFC000  }
0x20: {  	[tilespmem:s9], [sflag:$0x1] =	stream.linear.gather [hbm4b:s16+s3], $0x80, $0x38;
	[tilespmem:$0x1C900] =	vst v63  }
0x21: {  	_ =	swait.ge [sflag:s17], $0x4000  }
0x22: {  	[sflag:s17] =	ssyncset.done $0x0  }
0x23: {  	s18 =	sadd.s32 $0x30, s8;
	[sflag:s17] =	ssyncadd.s32 $0xFFFFC000  }
0x24: {  	[tilespmem:s11], [sflag:$0x3] =	stream.linear.gather [hbm4b:s18+s3], $0x80, $0x38;
	[tilespmem:$0x1C900] =	vst v63  }
0x25: {  	_ =	swait.ge [sflag:s12], $0x80  }
0x26: {  	[sflag:s12] =	ssyncset.done $0x0  }
0x27: {  	[sflag:s12] =	ssyncadd.s32 $0xFFFFFF80  }
0x28: {  	[spmem:s2] =	stream.indirect.scatter.add.f32 [tilespmem:s3], [sflag:$0x2], $0x80, s9, s13, $0xb8;
	[tilespmem:$0x1C900] =	vst v63  }
0x29: {  	_ =	swait.ge [sflag:s14], $0x80  }
0x2a: {  	[sflag:s14] =	ssyncset.done $0x0  }
0x2b: {  	[sflag:s14] =	ssyncadd.s32 $0xFFFFFF80  }
0x2c: {  	[spmem:s2] =	stream.indirect.scatter.add.f32 [tilespmem:s3], [sflag:$0x4], $0x80, s11, s13, $0xb8;
	[tilespmem:$0x1C900] =	vst v63  }
0x2d: {  	_ =	swait.ge [sflag:s15], $0x4000  }
0x2e: {  	[sflag:s15] =	ssyncset.done $0x0  }
0x2f: {  	s19 =	sadd.s32 $0x40, s8;
	[sflag:s15] =	ssyncadd.s32 $0xFFFFC000  }
0x30: {  	[tilespmem:s9], [sflag:$0x1] =	stream.linear.gather [hbm4b:s19+s3], $0x80, $0x38;
	[tilespmem:$0x1C900] =	vst v63  }
0x31: {  	_ =	swait.ge [sflag:s17], $0x4000  }
0x32: {  	[sflag:s17] =	ssyncset.done $0x0  }
0x33: {  	s20 =	sadd.s32 $0x50, s8;
	[sflag:s17] =	ssyncadd.s32 $0xFFFFC000  }
0x34: {  	[tilespmem:s11], [sflag:$0x3] =	stream.linear.gather [hbm4b:s20+s3], $0x80, $0x38;
	[tilespmem:$0x1C900] =	vst v63  }
0x35: {  	_ =	swait.ge [sflag:s12], $0x80  }
0x36: {  	[sflag:s12] =	ssyncset.done $0x0  }
0x37: {  	[sflag:s12] =	ssyncadd.s32 $0xFFFFFF80  }
0x38: {  	[spmem:s2] =	stream.indirect.scatter.add.f32 [tilespmem:s3], [sflag:$0x2], $0x80, s9, s13, $0xb8;
	[tilespmem:$0x1C900] =	vst v63  }
0x39: {  	_ =	swait.ge [sflag:s14], $0x80  }
0x3a: {  	[sflag:s14] =	ssyncset.done $0x0  }
0x3b: {  	[sflag:s14] =	ssyncadd.s32 $0xFFFFFF80  }
0x3c: {  	[spmem:s2] =	stream.indirect.scatter.add.f32 [tilespmem:s3], [sflag:$0x4], $0x80, s11, s13, $0xb8;
	[tilespmem:$0x1C900] =	vst v63  }
0x3d: {  	_ =	swait.ge [sflag:s15], $0x4000  }
0x3e: {  	[sflag:s15] =	ssyncset.done $0x0  }
0x3f: {  	s21 =	sadd.s32 $0x60, s8;
	[sflag:s15] =	ssyncadd.s32 $0xFFFFC000  }
0x40: {  	[tilespmem:s9], [sflag:$0x1] =	stream.linear.gather [hbm4b:s21+s3], $0x80, $0x38;
	[tilespmem:$0x1C900] =	vst v63  }
0x41: {  	_ =	swait.ge [sflag:s17], $0x4000  }
0x42: {  	[sflag:s17] =	ssyncset.done $0x0  }
0x43: {  	s22 =	sadd.s32 $0x70, s8;
	[sflag:s17] =	ssyncadd.s32 $0xFFFFC000  }
0x44: {  	[tilespmem:s11], [sflag:$0x3] =	stream.linear.gather [hbm4b:s22+s3], $0x80, $0x38;
	[tilespmem:$0x1C900] =	vst v63  }
0x45: {  	_ =	swait.ge [sflag:s12], $0x80  }
0x46: {  	[sflag:s12] =	ssyncset.done $0x0  }
0x47: {  	[sflag:s12] =	ssyncadd.s32 $0xFFFFFF80  }
0x48: {  	[spmem:s2] =	stream.indirect.scatter.add.f32 [tilespmem:s3], [sflag:$0x2], $0x80, s9, s13, $0xb8;
	[tilespmem:$0x1C900] =	vst v63  }
0x49: {  	_ =	swait.ge [sflag:s14], $0x80  }
0x4a: {  	[sflag:s14] =	ssyncset.done $0x0  }
0x4b: {  	[sflag:s14] =	ssyncadd.s32 $0xFFFFFF80  }
0x4c: {  	[spmem:s2] =	stream.indirect.scatter.add.f32 [tilespmem:s3], [sflag:$0x4], $0x80, s11, s13, $0xb8;
	[tilespmem:$0x1C900] =	vst v63  }
0x4d: {  	_ =	swait.ge [sflag:s15], $0x4000  }
0x4e: {  	[sflag:s15] =	ssyncset.done $0x0  }
0x4f: {  	s23 =	sadd.s32 $0x80, s8;
	[sflag:s15] =	ssyncadd.s32 $0xFFFFC000  }
0x50: {  	[tilespmem:s9], [sflag:$0x1] =	stream.linear.gather [hbm4b:s23+s3], $0x80, $0x38;
	[tilespmem:$0x1C900] =	vst v63  }
0x51: {  	_ =	swait.ge [sflag:s17], $0x4000  }
0x52: {  	[sflag:s17] =	ssyncset.done $0x0  }
0x53: {  	s24 =	sadd.s32 $0x90, s8;
	[sflag:s17] =	ssyncadd.s32 $0xFFFFC000  }
0x54: {  	[tilespmem:s11], [sflag:$0x3] =	stream.linear.gather [hbm4b:s24+s3], $0x80, $0x38;
	[tilespmem:$0x1C900] =	vst v63  }
0x55: {  	_ =	swait.ge [sflag:s12], $0x80  }
0x56: {  	[sflag:s12] =	ssyncset.done $0x0  }
0x57: {  	[sflag:s12] =	ssyncadd.s32 $0xFFFFFF80  }
0x58: {  	[spmem:s2] =	stream.indirect.scatter.add.f32 [tilespmem:s3], [sflag:$0x2], $0x80, s9, s13, $0xb8;
	[tilespmem:$0x1C900] =	vst v63  }
0x59: {  	_ =	swait.ge [sflag:s14], $0x80  }
0x5a: {  	[sflag:s14] =	ssyncset.done $0x0  }
0x5b: {  	[sflag:s14] =	ssyncadd.s32 $0xFFFFFF80  }
0x5c: {  	[spmem:s2] =	stream.indirect.scatter.add.f32 [tilespmem:s3], [sflag:$0x4], $0x80, s11, s13, $0xb8;
	[tilespmem:$0x1C900] =	vst v63  }
0x5d: {  	_ =	swait.ge [sflag:s15], $0x4000  }
0x5e: {  	[sflag:s15] =	ssyncset.done $0x0  }
0x5f: {  	s25 =	sadd.s32 $0xA0, s8;
	[sflag:s15] =	ssyncadd.s32 $0xFFFFC000  }
0x60: {  	[tilespmem:s9], [sflag:$0x1] =	stream.linear.gather [hbm4b:s25+s3], $0x80, $0x38;
	[tilespmem:$0x1C900] =	vst v63  }
0x61: {  	_ =	swait.ge [sflag:s17], $0x4000  }
0x62: {  	[sflag:s17] =	ssyncset.done $0x0  }
0x63: {  	s26 =	sadd.s32 $0xB0, s8;
	[sflag:s17] =	ssyncadd.s32 $0xFFFFC000  }
0x64: {  	[tilespmem:s11], [sflag:$0x3] =	stream.linear.gather [hbm4b:s26+s3], $0x80, $0x38;
	[tilespmem:$0x1C900] =	vst v63  }
0x65: {  	_ =	swait.ge [sflag:s12], $0x80  }
0x66: {  	[sflag:s12] =	ssyncset.done $0x0  }
0x67: {  	[sflag:s12] =	ssyncadd.s32 $0xFFFFFF80  }
0x68: {  	[spmem:s2] =	stream.indirect.scatter.add.f32 [tilespmem:s3], [sflag:$0x2], $0x80, s9, s13, $0xb8;
	[tilespmem:$0x1C900] =	vst v63  }
0x69: {  	_ =	swait.ge [sflag:s14], $0x80  }
0x6a: {  	[sflag:s14] =	ssyncset.done $0x0  }
0x6b: {  	[sflag:s14] =	ssyncadd.s32 $0xFFFFFF80  }
0x6c: {  	[spmem:s2] =	stream.indirect.scatter.add.f32 [tilespmem:s3], [sflag:$0x4], $0x80, s11, s13, $0xb8;
	[tilespmem:$0x1C900] =	vst v63  }
0x6d: {  	_ =	swait.ge [sflag:s15], $0x4000  }
0x6e: {  	[sflag:s15] =	ssyncset.done $0x0  }
0x6f: {  	s28 =	sadd.s32 $0xC0, s8;
	[sflag:s15] =	ssyncadd.s32 $0xFFFFC000  }
0x70: {  	[tilespmem:s9], [sflag:$0x1] =	stream.linear.gather [hbm4b:s28+s3], $0x80, $0x38;
	[tilespmem:$0x1C900] =	vst v63  }
0x71: {  	_ =	swait.ge [sflag:s17], $0x4000  }
0x72: {  	[sflag:s17] =	ssyncset.done $0x0  }
0x73: {  	s29 =	sadd.s32 $0xD0, s8;
	[sflag:s17] =	ssyncadd.s32 $0xFFFFC000  }
0x74: {  	[tilespmem:s11], [sflag:$0x3] =	stream.linear.gather [hbm4b:s29+s3], $0x80, $0x38;
	[tilespmem:$0x1C900] =	vst v63  }
0x75: {  	_ =	swait.ge [sflag:s12], $0x80  }
0x76: {  	[sflag:s12] =	ssyncset.done $0x0  }
0x77: {  	[sflag:s12] =	ssyncadd.s32 $0xFFFFFF80  }
0x78: {  	[spmem:s2] =	stream.indirect.scatter.add.f32 [tilespmem:s3], [sflag:$0x2], $0x80, s9, s13, $0xb8;
	[tilespmem:$0x1C900] =	vst v63  }
0x79: {  	_ =	swait.ge [sflag:s14], $0x80  }
0x7a: {  	[sflag:s14] =	ssyncset.done $0x0  }
0x7b: {  	[sflag:s14] =	ssyncadd.s32 $0xFFFFFF80  }
0x7c: {  	[spmem:s2] =	stream.indirect.scatter.add.f32 [tilespmem:s3], [sflag:$0x4], $0x80, s11, s13, $0xb8;
	[tilespmem:$0x1C900] =	vst v63  }
0x7d: {  	s1 =	ssub.s32 $0x2, s0;
	_ =	swait.ge [sflag:s15], $0x4000  }
0x7e: {  	s30 =	sshrl.u32 s1, $0x1;
	[sflag:s15] =	ssyncset.done $0x0  }
0x7f: {  	s1 =	ssub.s32 s1, s30;
	[sflag:s15] =	ssyncadd.s32 $0xFFFFC000  }
0x80: {  	s1 =	smax.u32 s1, $0x1;
	_ =	swait.ge [sflag:s17], $0x4000  }
0x81: {  	s0 =	smul.u32 $0x31000, s0;
	p0 =	sne.s32 s1, $0x1;
	[sflag:s17] =	ssyncset.done $0x0  }
.Ltmp0:
0x82: {  	s30 =	rddreg [dreg:$0x3];
	(pc) =	sbr.rel @!p0 .LBB2_2-.Ltmp0, $4  }
0x83: {  	[sflag:s17] =	ssyncadd.s32 $0xFFFFC000;
	s0 =	sadd.s32 s30, s0  }
0x84: {  	[bflag:$0x0] =	sbarrier.arrive $0xFFFF;
	s30 =	sadd.s32 s31, s0  }
0x85: {  	[hbm:s30], [sflag:s6] =	dma.local [spmem:s7], $0x3100  }
0x86: {  	s31 =	sadd.s32 $0xFFFFFFFF, s1;
	_ =	swait.ge [sflag:s4], $0x3100  }
.LBB2_1:
0x87: {  	[sflag:s4] =	ssyncset.done $0x0  }
0x88: {  	s0 =	rddreg [dreg:$0x6];
	[sflag:s4] =	ssyncadd.s32 $0xFFFFCF00  }
0x89: {  	[tilespmem:s3], [sflag:$0x5] =	stream.linear.gather [hbm4b:s0+s3], $0x4000, $0x38;
	[tilespmem:$0x1C900] =	vst v63  }
0x8a: {  	_ =	swait.ge [sflag:s4], $0x4000  }
0x8b: {  	[sflag:s4] =	ssyncset.done $0x0  }
0x8c: {  	[sflag:s4] =	ssyncadd.s32 $0xFFFFC000  }
0x8d: {  	[spmem:s7], [sflag:s6] =	dma.local [hbm:s5], $0x3100  }
0x8e: {  	_ =	swait.ge [sflag:s4], $0x3100  }
0x8f: {  	[sflag:s4] =	ssyncset.done $0x0  }
0x90: {  	[sflag:s4] =	ssyncadd.s32 $0xFFFFCF00  }
0x91: {  	[bflag:$0x0] =	sbarrier.arrive $0xFFFF  }
0x92: {  	[tilespmem:s9], [sflag:$0x1] =	stream.linear.gather [hbm4b:s8+s3], $0x80, $0x38;
	[tilespmem:$0x1C900] =	vst v63  }
0x93: {  	_ = 	snop  }
0x94: {  	[tilespmem:s11], [sflag:$0x3] =	stream.linear.gather [hbm4b:s10+s3], $0x80, $0x38;
	[tilespmem:$0x1C900] =	vst v63  }
0x95: {  	_ =	swait.ge [sflag:s12], $0x80  }
0x96: {  	[sflag:s12] =	ssyncset.done $0x0  }
0x97: {  	[sflag:s12] =	ssyncadd.s32 $0xFFFFFF80  }
0x98: {  	[spmem:s2] =	stream.indirect.scatter.add.f32 [tilespmem:s3], [sflag:$0x2], $0x80, s9, s13, $0xb8;
	[tilespmem:$0x1C900] =	vst v63  }
0x99: {  	_ =	swait.ge [sflag:s14], $0x80  }
0x9a: {  	[sflag:s14] =	ssyncset.done $0x0  }
0x9b: {  	[sflag:s14] =	ssyncadd.s32 $0xFFFFFF80  }
0x9c: {  	[spmem:s2] =	stream.indirect.scatter.add.f32 [tilespmem:s3], [sflag:$0x4], $0x80, s11, s13, $0xb8;
	[tilespmem:$0x1C900] =	vst v63  }
0x9d: {  	_ =	swait.ge [sflag:s15], $0x4000  }
0x9e: {  	[sflag:s15] =	ssyncset.done $0x0  }
0x9f: {  	[sflag:s15] =	ssyncadd.s32 $0xFFFFC000  }
0xa0: {  	[tilespmem:s9], [sflag:$0x1] =	stream.linear.gather [hbm4b:s16+s3], $0x80, $0x38;
	[tilespmem:$0x1C900] =	vst v63  }
0xa1: {  	_ =	swait.ge [sflag:s17], $0x4000  }
0xa2: {  	[sflag:s17] =	ssyncset.done $0x0  }
0xa3: {  	[sflag:s17] =	ssyncadd.s32 $0xFFFFC000  }
0xa4: {  	[tilespmem:s11], [sflag:$0x3] =	stream.linear.gather [hbm4b:s18+s3], $0x80, $0x38;
	[tilespmem:$0x1C900] =	vst v63  }
0xa5: {  	_ =	swait.ge [sflag:s12], $0x80  }
0xa6: {  	[sflag:s12] =	ssyncset.done $0x0  }
0xa7: {  	[sflag:s12] =	ssyncadd.s32 $0xFFFFFF80  }
0xa8: {  	[spmem:s2] =	stream.indirect.scatter.add.f32 [tilespmem:s3], [sflag:$0x2], $0x80, s9, s13, $0xb8;
	[tilespmem:$0x1C900] =	vst v63  }
0xa9: {  	_ =	swait.ge [sflag:s14], $0x80  }
0xaa: {  	[sflag:s14] =	ssyncset.done $0x0  }
0xab: {  	[sflag:s14] =	ssyncadd.s32 $0xFFFFFF80  }
0xac: {  	[spmem:s2] =	stream.indirect.scatter.add.f32 [tilespmem:s3], [sflag:$0x4], $0x80, s11, s13, $0xb8;
	[tilespmem:$0x1C900] =	vst v63  }
0xad: {  	_ =	swait.ge [sflag:s15], $0x4000  }
0xae: {  	[sflag:s15] =	ssyncset.done $0x0  }
0xaf: {  	[sflag:s15] =	ssyncadd.s32 $0xFFFFC000  }
0xb0: {  	[tilespmem:s9], [sflag:$0x1] =	stream.linear.gather [hbm4b:s19+s3], $0x80, $0x38;
	[tilespmem:$0x1C900] =	vst v63  }
0xb1: {  	_ =	swait.ge [sflag:s17], $0x4000  }
0xb2: {  	[sflag:s17] =	ssyncset.done $0x0  }
0xb3: {  	[sflag:s17] =	ssyncadd.s32 $0xFFFFC000  }
0xb4: {  	[tilespmem:s11], [sflag:$0x3] =	stream.linear.gather [hbm4b:s20+s3], $0x80, $0x38;
	[tilespmem:$0x1C900] =	vst v63  }
0xb5: {  	_ =	swait.ge [sflag:s12], $0x80  }
0xb6: {  	[sflag:s12] =	ssyncset.done $0x0  }
0xb7: {  	[sflag:s12] =	ssyncadd.s32 $0xFFFFFF80  }
0xb8: {  	[spmem:s2] =	stream.indirect.scatter.add.f32 [tilespmem:s3], [sflag:$0x2], $0x80, s9, s13, $0xb8;
	[tilespmem:$0x1C900] =	vst v63  }
0xb9: {  	_ =	swait.ge [sflag:s14], $0x80  }
0xba: {  	[sflag:s14] =	ssyncset.done $0x0  }
0xbb: {  	[sflag:s14] =	ssyncadd.s32 $0xFFFFFF80  }
0xbc: {  	[spmem:s2] =	stream.indirect.scatter.add.f32 [tilespmem:s3], [sflag:$0x4], $0x80, s11, s13, $0xb8;
	[tilespmem:$0x1C900] =	vst v63  }
0xbd: {  	_ =	swait.ge [sflag:s15], $0x4000  }
0xbe: {  	[sflag:s15] =	ssyncset.done $0x0  }
0xbf: {  	[sflag:s15] =	ssyncadd.s32 $0xFFFFC000  }
0xc0: {  	[tilespmem:s9], [sflag:$0x1] =	stream.linear.gather [hbm4b:s21+s3], $0x80, $0x38;
	[tilespmem:$0x1C900] =	vst v63  }
0xc1: {  	_ =	swait.ge [sflag:s17], $0x4000  }
0xc2: {  	[sflag:s17] =	ssyncset.done $0x0  }
0xc3: {  	[sflag:s17] =	ssyncadd.s32 $0xFFFFC000  }
0xc4: {  	[tilespmem:s11], [sflag:$0x3] =	stream.linear.gather [hbm4b:s22+s3], $0x80, $0x38;
	[tilespmem:$0x1C900] =	vst v63  }
0xc5: {  	_ =	swait.ge [sflag:s12], $0x80  }
0xc6: {  	[sflag:s12] =	ssyncset.done $0x0  }
0xc7: {  	[sflag:s12] =	ssyncadd.s32 $0xFFFFFF80  }
0xc8: {  	[spmem:s2] =	stream.indirect.scatter.add.f32 [tilespmem:s3], [sflag:$0x2], $0x80, s9, s13, $0xb8;
	[tilespmem:$0x1C900] =	vst v63  }
0xc9: {  	_ =	swait.ge [sflag:s14], $0x80  }
0xca: {  	[sflag:s14] =	ssyncset.done $0x0  }
0xcb: {  	[sflag:s14] =	ssyncadd.s32 $0xFFFFFF80  }
0xcc: {  	[spmem:s2] =	stream.indirect.scatter.add.f32 [tilespmem:s3], [sflag:$0x4], $0x80, s11, s13, $0xb8;
	[tilespmem:$0x1C900] =	vst v63  }
0xcd: {  	_ =	swait.ge [sflag:s15], $0x4000  }
0xce: {  	[sflag:s15] =	ssyncset.done $0x0  }
0xcf: {  	[sflag:s15] =	ssyncadd.s32 $0xFFFFC000  }
0xd0: {  	[tilespmem:s9], [sflag:$0x1] =	stream.linear.gather [hbm4b:s23+s3], $0x80, $0x38;
	[tilespmem:$0x1C900] =	vst v63  }
0xd1: {  	_ =	swait.ge [sflag:s17], $0x4000  }
0xd2: {  	[sflag:s17] =	ssyncset.done $0x0  }
0xd3: {  	[sflag:s17] =	ssyncadd.s32 $0xFFFFC000  }
0xd4: {  	[tilespmem:s11], [sflag:$0x3] =	stream.linear.gather [hbm4b:s24+s3], $0x80, $0x38;
	[tilespmem:$0x1C900] =	vst v63  }
0xd5: {  	_ =	swait.ge [sflag:s12], $0x80  }
0xd6: {  	[sflag:s12] =	ssyncset.done $0x0  }
0xd7: {  	[sflag:s12] =	ssyncadd.s32 $0xFFFFFF80  }
0xd8: {  	[spmem:s2] =	stream.indirect.scatter.add.f32 [tilespmem:s3], [sflag:$0x2], $0x80, s9, s13, $0xb8;
	[tilespmem:$0x1C900] =	vst v63  }
0xd9: {  	_ =	swait.ge [sflag:s14], $0x80  }
0xda: {  	[sflag:s14] =	ssyncset.done $0x0  }
0xdb: {  	[sflag:s14] =	ssyncadd.s32 $0xFFFFFF80  }
0xdc: {  	[spmem:s2] =	stream.indirect.scatter.add.f32 [tilespmem:s3], [sflag:$0x4], $0x80, s11, s13, $0xb8;
	[tilespmem:$0x1C900] =	vst v63  }
0xdd: {  	_ =	swait.ge [sflag:s15], $0x4000  }
0xde: {  	[sflag:s15] =	ssyncset.done $0x0  }
0xdf: {  	[sflag:s15] =	ssyncadd.s32 $0xFFFFC000  }
0xe0: {  	[tilespmem:s9], [sflag:$0x1] =	stream.linear.gather [hbm4b:s25+s3], $0x80, $0x38;
	[tilespmem:$0x1C900] =	vst v63  }
0xe1: {  	_ =	swait.ge [sflag:s17], $0x4000  }
0xe2: {  	[sflag:s17] =	ssyncset.done $0x0  }
0xe3: {  	[sflag:s17] =	ssyncadd.s32 $0xFFFFC000  }
0xe4: {  	[tilespmem:s11], [sflag:$0x3] =	stream.linear.gather [hbm4b:s26+s3], $0x80, $0x38;
	[tilespmem:$0x1C900] =	vst v63  }
0xe5: {  	_ =	swait.ge [sflag:s12], $0x80  }
0xe6: {  	[sflag:s12] =	ssyncset.done $0x0  }
0xe7: {  	[sflag:s12] =	ssyncadd.s32 $0xFFFFFF80  }
0xe8: {  	[spmem:s2] =	stream.indirect.scatter.add.f32 [tilespmem:s3], [sflag:$0x2], $0x80, s9, s13, $0xb8;
	[tilespmem:$0x1C900] =	vst v63  }
0xe9: {  	_ =	swait.ge [sflag:s14], $0x80  }
0xea: {  	[sflag:s14] =	ssyncset.done $0x0  }
0xeb: {  	[sflag:s14] =	ssyncadd.s32 $0xFFFFFF80  }
0xec: {  	[spmem:s2] =	stream.indirect.scatter.add.f32 [tilespmem:s3], [sflag:$0x4], $0x80, s11, s13, $0xb8;
	[tilespmem:$0x1C900] =	vst v63  }
0xed: {  	_ =	swait.ge [sflag:s15], $0x4000  }
0xee: {  	[sflag:s15] =	ssyncset.done $0x0  }
0xef: {  	[sflag:s15] =	ssyncadd.s32 $0xFFFFC000  }
0xf0: {  	[tilespmem:s9], [sflag:$0x1] =	stream.linear.gather [hbm4b:s28+s3], $0x80, $0x38;
	[tilespmem:$0x1C900] =	vst v63  }
0xf1: {  	_ =	swait.ge [sflag:s17], $0x4000  }
0xf2: {  	[sflag:s17] =	ssyncset.done $0x0  }
0xf3: {  	[sflag:s17] =	ssyncadd.s32 $0xFFFFC000  }
0xf4: {  	[tilespmem:s11], [sflag:$0x3] =	stream.linear.gather [hbm4b:s29+s3], $0x80, $0x38;
	[tilespmem:$0x1C900] =	vst v63  }
0xf5: {  	_ =	swait.ge [sflag:s12], $0x80  }
0xf6: {  	[sflag:s12] =	ssyncset.done $0x0  }
0xf7: {  	[sflag:s12] =	ssyncadd.s32 $0xFFFFFF80  }
0xf8: {  	[spmem:s2] =	stream.indirect.scatter.add.f32 [tilespmem:s3], [sflag:$0x2], $0x80, s9, s13, $0xb8;
	[tilespmem:$0x1C900] =	vst v63  }
0xf9: {  	_ =	swait.ge [sflag:s14], $0x80  }
0xfa: {  	[sflag:s14] =	ssyncset.done $0x0  }
0xfb: {  	[sflag:s14] =	ssyncadd.s32 $0xFFFFFF80  }
0xfc: {  	[spmem:s2] =	stream.indirect.scatter.add.f32 [tilespmem:s3], [sflag:$0x4], $0x80, s11, s13, $0xb8;
	[tilespmem:$0x1C900] =	vst v63  }
0xfd: {  	_ =	swait.ge [sflag:s15], $0x4000  }
0xfe: {  	[sflag:s15] =	ssyncset.done $0x0  }
0xff: {  	[sflag:s15] =	ssyncadd.s32 $0xFFFFC000  }
0x100: {  	p0 =	sne.s32 s31, $0x1;
	_ =	swait.ge [sflag:s17], $0x4000  }
.Ltmp1:
0x101: {  	[sflag:s17] =	ssyncset.done $0x0;
	(pc) =	sbr.rel @p0 .LBB2_1-.Ltmp1, $4  }
0x102: {  	[sflag:s17] =	ssyncadd.s32 $0xFFFFC000  }
0x103: {  	[bflag:$0x0] =	sbarrier.arrive $0xFFFF  }
0x104: {  	[hbm:s30], [sflag:s6] =	dma.local [spmem:s7], $0x3100  }
0x105: {  	s31 =	sadd.s32 $0xFFFFFFFF, s31;
	_ =	swait.ge [sflag:s4], $0x3100  }
.LBB2_2:
0x106: {  	[sflag:s4] =	ssyncset.done $0x0  }
0x107: {  	[sflag:s4] =	ssyncadd.s32 $0xFFFFCF00  }
0x108: {  	_ =	sfence.sel $0x180000  }
0x109: {  	[bflag:$0x0] =	sbarrier.arrive $0xFFFF  }
0x10a: {  	_ =	strace $0x90000047  }
0x10b: {  	s0 =	stileid.u32;
	[bflag:$0x2] =	sbarrier.arrive $0xFFFF  }
0x10c: {  	p0 =	sne.s32 s0, $0x0;
	s0 =	rddreg [dreg:$0x5]  }
0x10d: {  	s0 =	sadd.s32 @!p0 $0x100000, s0  }
0x10e: {  	[sflag:s0] =	ssyncadd.tile.s32 @!p0 $0x1;
	_ =	shalt  }
.Lfunc_end2:
_tile_overlayer_lowered:
.L_overlay_start_2:
0x10f: {  	(tag) =	ssettag $0x2  }
0x110: {  	s0 =	rddreg [dreg:$0x0];
	s2 =	stileid.u32  }
0x111: {  	s1 =	rddreg [dreg:$0x1];
	p0 =	sne.s32 s2, $0x0  }
0x112: {  	s3 =	rddreg [dreg:$0x2];
	[bflag:$0x3] =	sbarrier.arrive $0xFFFF;
	s2 =	simm.s32 @!p0 $0x1C05  }
0x113: {  	[timem:s3], [sflag:s2] =	dma.local @!p0 [hbm:s0], s1  }
0x114: {  	s0 =	simm.s32 @!p0 $0x5  }
0x115: {  	_ =	swait.ge @!p0 [sflag:s0], s1  }
0x116: {  	s1 =	ssub.s32 @!p0 $0x0, s1;
	[sflag:s0] =	ssyncset.done @!p0 $0x0  }
0x117: {  	[sflag:s0] =	ssyncadd.s32 @!p0 s1  }
0x118: {  	[bflag:$0x3] =	sbarrier.arrive $0xFFFF  }
0x119: {  	_ =	shalt  }

</sc_bundles>
